<compile_context>
chip_gen: v7x
topology: tpu7x:2x2x1
jax: 0.10.2.dev20260603
libtpu: 0.0.44.dev20260713+nightly
codegen_flags: <defaults>
</compile_context>

<pallas_src>
import jax
import jax.numpy as jnp
from jax import lax
from jax.experimental import pallas as pl
from jax.experimental.pallas import tpu as pltpu
from jax.experimental.pallas import tpu_sc as plsc

D_MODEL = 512
N_HEADS = 26
N_POINTS = 4
K_ACT = 8
D_HEAD = 64
KNN = 3
NEG = -3.4e38
INF = 3.4e38
NW = 32
CHUNK = 128


def _proj_kernel(q_ref, Wa_ref, ba_ref, Wo_ref, bo_ref, x_ref, Wv_ref, bv_ref,
                 attn_ref, offs_ref, val_ref, idx_ref):
    f32 = jnp.float32
    q = q_ref[...]
    attn = jnp.dot(q, Wa_ref[...], preferred_element_type=f32) + ba_ref[...]
    attn_ref[...] = attn
    offs_ref[...] = jnp.dot(q, Wo_ref[...], preferred_element_type=f32) + bo_ref[...]
    val_ref[...] = jnp.dot(x_ref[...], Wv_ref[...], preferred_element_type=f32) + bv_ref[...]

    rows = jax.lax.broadcasted_iota(jnp.int32, (N_HEADS * N_POINTS, N_HEADS), 0)
    cols = jax.lax.broadcasted_iota(jnp.int32, (N_HEADS * N_POINTS, N_HEADS), 1)
    S = (rows // N_POINTS == cols).astype(f32)
    scores = jnp.dot(attn, S, preferred_element_type=f32,
                     precision=jax.lax.Precision.HIGHEST)
    iota26 = jax.lax.broadcasted_iota(jnp.int32, scores.shape, 1)
    for kk in range(K_ACT):
        m = jnp.max(scores, axis=1, keepdims=True)
        idx = jnp.min(jnp.where(scores == m, iota26, N_HEADS), axis=1,
                      keepdims=True)
        idx_ref[kk] = idx
        scores = jnp.where(iota26 == idx, NEG, scores)


def _gsel(n_cols, width):
    r = jax.lax.broadcasted_iota(jnp.int32, (n_cols, width), 0)
    c = jax.lax.broadcasted_iota(jnp.int32, (n_cols, width), 1)
    return (r % width == c).astype(jnp.float32)


def _level_kernel(idx_ref, attn_ref, offs_ref, val_ref, ref12_ref, smin12_ref,
                  den12_ref, nsrcT_ref, lvlval_o, idx12_o, coef12_o):
    k = pl.program_id(0)
    f32 = jnp.float32
    Lq = attn_ref.shape[0]
    Nn = nsrcT_ref.shape[1]

    idxc = idx_ref[0]

    def _select(ref, width):
        n_cols = ref.shape[1]
        heads = jax.lax.broadcasted_iota(jnp.int32, (Lq, n_cols), 1) // width
        sel = jnp.where(heads == idxc, ref[...], 0.0)
        return jnp.dot(sel, _gsel(n_cols, width), preferred_element_type=f32,
                       precision=jax.lax.Precision.HIGHEST)

    attn4 = _select(attn_ref, N_POINTS)
    samp12 = _select(offs_ref, 12)
    lvlval_o[0, :, 0:D_HEAD] = _select(val_ref, D_HEAD)
    lvlval_o[0, :, D_HEAD:2 * D_HEAD] = jnp.zeros((attn_ref.shape[0], D_HEAD),
                                                  jnp.float32)

    amax = jnp.max(attn4, axis=1, keepdims=True)
    ae = jnp.exp(attn4 - amax)
    aw4 = ae / jnp.sum(ae, axis=1, keepdims=True)
    nloc12 = ((ref12_ref[...] + samp12) - smin12_ref[...]) / den12_ref[...]

    nsrc3 = nsrcT_ref[...]
    s0 = nsrc3[0:1, :]
    s1 = nsrc3[1:2, :]
    s2 = nsrc3[2:3, :]
    ss = s0 * s0 + s1 * s1 + s2 * s2

    iota_m = jax.lax.broadcasted_iota(jnp.int32, (Lq, Nn), 1)
    for p in range(N_POINTS):
        nl = nloc12[:, p * 3:p * 3 + 3]
        a0 = nl[:, 0:1]
        a1 = nl[:, 1:2]
        a2 = nl[:, 2:3]
        qq = a0 * a0 + a1 * a1 + a2 * a2
        cross = jnp.dot(nl, nsrc3, preferred_element_type=f32)
        sq = (qq + ss) - 2.0 * cross
        ms, idxs = [], []
        dcur = jnp.maximum(sq, 1e-12)
        for j in range(KNN):
            m = jnp.min(dcur, axis=1, keepdims=True)
            i = jnp.min(jnp.where(dcur == m, iota_m, Nn), axis=1, keepdims=True)
            ms.append(m)
            idxs.append(i)
            if j < KNN - 1:
                dcur = jnp.where(iota_m == i, INF, dcur)
        us = [1.0 / (jnp.sqrt(m) + 1e-7) for m in ms]
        usum = us[0] + us[1] + us[2]
        awp = aw4[:, p:p + 1]
        for j in range(KNN):
            t = p * KNN + j
            idx12_o[0, :, pl.ds(t, 1)] = idxs[j] + k * Nn
            coef12_o[0, :, pl.ds(t, 1)] = (awp * us[j]) / usum


def _sc_gather(table_ref, idxf_ref, out_ref, idx_v, rows_v, sem):
    wid = lax.axis_index("s") * 2 + lax.axis_index("c")
    base = wid * (K_ACT * 1024 * N_POINTS * KNN // NW)
    nch = (K_ACT * 1024 * N_POINTS * KNN // NW) // CHUNK

    def body(g, carry):
        off = base + g * CHUNK
        pltpu.sync_copy(idxf_ref.at[pl.ds(off, CHUNK)], idx_v)
        pltpu.async_copy(table_ref.at[idx_v], rows_v, sem).wait()
        pltpu.sync_copy(rows_v, out_ref.at[pl.ds(off, CHUNK)])
        return carry

    lax.fori_loop(0, nch, body, 0)


def _reduce_kernel(gath_ref, coef_ref, Wout_ref, bout_ref, out_ref):
    k = pl.program_id(0)
    f32 = jnp.float32
    Lq = gath_ref.shape[1]

    @pl.when(k == 0)
    def _init():
        out_ref[...] = jnp.zeros((Lq, D_MODEL), f32) + bout_ref[...]

    g = gath_ref[0]
    cf = coef_ref[0]
    acc = jnp.zeros((Lq, D_HEAD), f32)
    for t in range(N_POINTS * KNN):
        acc = acc + cf[:, t:t + 1] * g[:, t * 2 * D_HEAD:t * 2 * D_HEAD + D_HEAD]
    wout_k = Wout_ref[pl.ds(k * D_HEAD, D_HEAD), :]
    out_ref[...] += jnp.dot(acc, wout_k, preferred_element_type=f32)


def _full(arr):
    nd = arr.ndim
    return pl.BlockSpec(arr.shape, lambda k, _n=nd: (0,) * _n)


@jax.jit
def kernel(query, all_coords, scale_ranges, reference_points, input_flatten,
           W_offsets, b_offsets, W_attn, b_attn, W_value, b_value, W_out,
           b_out):
    B, Lq, _ = query.shape
    Nn = input_flatten.shape[1]
    q = query[0]
    x = input_flatten[0]
    smin = scale_ranges[0, 0, :]
    denom = scale_ranges[0, 1, :] - smin + 1e-7
    ref12 = jnp.tile(reference_points[0], (1, N_POINTS))
    smin12 = jnp.tile(smin[None, :], (1, N_POINTS))
    den12 = jnp.tile(denom[None, :], (1, N_POINTS))
    nsrcT = ((all_coords[0] - smin[None, :]) / denom[None, :]).T

    attn, offs, val, idx8 = pl.pallas_call(
        _proj_kernel,
        out_shape=[
            jax.ShapeDtypeStruct((Lq, N_HEADS * N_POINTS), jnp.float32),
            jax.ShapeDtypeStruct((Lq, N_HEADS * 12), jnp.float32),
            jax.ShapeDtypeStruct((Lq, N_HEADS * D_HEAD), jnp.float32),
            jax.ShapeDtypeStruct((K_ACT, Lq, 1), jnp.int32),
        ],
    )(q, W_attn, b_attn[None, :], W_offsets, b_offsets[None, :],
      x, W_value, b_value[None, :])

    T12 = N_POINTS * KNN
    lvlval, idx12, coef12 = pl.pallas_call(
        _level_kernel,
        grid=(K_ACT,),
        in_specs=[
            pl.BlockSpec((1, Lq, 1), lambda k: (k, 0, 0)),
            _full(attn), _full(offs), _full(val),
            _full(ref12), _full(smin12), _full(den12), _full(nsrcT),
        ],
        out_specs=[
            pl.BlockSpec((1, Lq, 2 * D_HEAD), lambda k: (k, 0, 0)),
            pl.BlockSpec((1, Lq, T12), lambda k: (k, 0, 0)),
            pl.BlockSpec((1, Lq, T12), lambda k: (k, 0, 0)),
        ],
        out_shape=[
            jax.ShapeDtypeStruct((K_ACT, Lq, 2 * D_HEAD), jnp.float32),
            jax.ShapeDtypeStruct((K_ACT, Lq, T12), jnp.int32),
            jax.ShapeDtypeStruct((K_ACT, Lq, T12), jnp.float32),
        ],
    )(idx8, attn, offs, val, ref12, smin12, den12, nsrcT)

    table = lvlval.reshape(K_ACT * Lq, 2 * D_HEAD)
    idx_flat = idx12.reshape(K_ACT * Lq * T12)

    mesh = plsc.VectorSubcoreMesh(core_axis_name="c", subcore_axis_name="s")
    gath = pl.kernel(
        _sc_gather,
        out_type=jax.ShapeDtypeStruct((K_ACT * Lq * T12, 2 * D_HEAD), jnp.float32),
        mesh=mesh,
        scratch_types=[
            pltpu.VMEM((CHUNK,), jnp.int32),
            pltpu.VMEM((CHUNK, 2 * D_HEAD), jnp.float32),
            pltpu.SemaphoreType.DMA,
        ],
    )(table, idx_flat)

    gath3 = gath.reshape(K_ACT, Lq, T12 * 2 * D_HEAD)
    out = pl.pallas_call(
        _reduce_kernel,
        grid=(K_ACT,),
        in_specs=[
            pl.BlockSpec((1, Lq, T12 * 2 * D_HEAD), lambda k: (k, 0, 0)),
            pl.BlockSpec((1, Lq, T12), lambda k: (k, 0, 0)),
            _full(W_out),
            pl.BlockSpec((1, D_MODEL), lambda k: (0, 0)),
        ],
        out_specs=pl.BlockSpec((Lq, D_MODEL), lambda k: (0, 0)),
        out_shape=jax.ShapeDtypeStruct((Lq, D_MODEL), jnp.float32),
    )(gath3, coef12, W_out, b_out[None, :])
    return out[None]

# --- scband reference (transcript-rebuilt; emitter-appended) ---
"""Pipeline reference for scband-msdeform-attn-23261542875599 (READ-ONLY COPY).

The authoritative reference and input builder live on the scoring server;
editing this copy changes nothing except your own understanding.
"""

import jax, jax.numpy as jnp
import numpy as np

D_MODEL = 512
N_HEADS = 26
N_POINTS = 4
ACTIVE_HEADS = 8
KNN = 3


def setup_inputs(seed: int = 0) -> dict:
    key = jax.random.key(seed)
    ks = jax.random.split(key, 16)
    B, Lq, N = 1, 1024, 1024
    inp = {}
    inp["query"] = jax.random.normal(ks[0], (B, Lq, D_MODEL), dtype=jnp.float32)
    inp["all_coords"] = jax.random.uniform(ks[1], (B, N, 3), dtype=jnp.float32)
    inp["scale_ranges"] = jnp.arange(6, dtype=jnp.float32).reshape(B, 2, 3)
    inp["reference_points"] = jax.random.uniform(ks[2], (B, Lq, 3), dtype=jnp.float32)
    inp["input_flatten"] = jax.random.normal(ks[3], (B, N, D_MODEL), dtype=jnp.float32)
    inp["W_offsets"] = jax.random.normal(ks[4], (D_MODEL, N_HEADS * N_POINTS * 3), dtype=jnp.float32) * 0.02
    inp["b_offsets"] = jax.random.normal(ks[5], (N_HEADS * N_POINTS * 3,), dtype=jnp.float32) * 0.01
    inp["W_attn"] = jax.random.normal(ks[6], (D_MODEL, N_HEADS * N_POINTS), dtype=jnp.float32) * 0.02
    inp["b_attn"] = jax.random.normal(ks[7], (N_HEADS * N_POINTS,), dtype=jnp.float32) * 0.01
    inp["W_value"] = jax.random.normal(ks[8], (D_MODEL, (D_MODEL // ACTIVE_HEADS) * N_HEADS), dtype=jnp.float32) * 0.02
    inp["b_value"] = jnp.zeros(((D_MODEL // ACTIVE_HEADS) * N_HEADS,), dtype=jnp.float32)
    inp["W_out"] = jax.random.normal(ks[9], (D_MODEL, D_MODEL), dtype=jnp.float32) * 0.02
    inp["b_out"] = jnp.zeros((D_MODEL,), dtype=jnp.float32)
    return inp


def reference(query, all_coords, scale_ranges, reference_points, input_flatten,
              W_offsets, b_offsets, W_attn, b_attn, W_value, b_value, W_out, b_out):
    B, Lq, _ = query.shape
    N = input_flatten.shape[1]
    K = ACTIVE_HEADS
    d_head = D_MODEL // ACTIVE_HEADS

    # attention weights over all heads and top-k head selection
    attn_all = (query @ W_attn + b_attn).reshape(B, Lq, N_HEADS, N_POINTS)
    head_scores = jnp.sum(attn_all, axis=-1)  # (B, Lq, n_heads)
    topk_scores, topk_idx = jax.lax.top_k(head_scores, K)  # largest, sorted

    # value projection and gather active heads (requires Lq == N)
    value = (input_flatten @ W_value + b_value).reshape(B, N, N_HEADS, d_head)
    active_value = jnp.take_along_axis(value, topk_idx[..., None], axis=2)  # (B, N, K, d_head)

    offsets = (query @ W_offsets + b_offsets).reshape(B, Lq, N_HEADS, N_POINTS, 3)
    samp_off = jnp.take_along_axis(offsets, topk_idx[:, :, :, None, None], axis=2)  # (B, Lq, K, P, 3)

    attn_w = jnp.take_along_axis(attn_all, topk_idx[..., None], axis=2)  # (B, Lq, K, P)
    attn_w = jax.nn.softmax(attn_w, axis=-1)

    sampling_locations = reference_points[:, :, None, None, :] + samp_off  # (B, Lq, K, P, 3)

    # ms_deform_attn_core_3d_knn
    scale_min = scale_ranges[:, 0, :]
    scale_max = scale_ranges[:, 1, :]
    denom = scale_max - scale_min + 1e-07
    norm_locs = (sampling_locations - scale_min[:, None, None, None, :]) / denom[:, None, None, None, :]
    norm_locs = jnp.transpose(norm_locs, (0, 2, 1, 3, 4)).reshape(B * K, Lq, N_POINTS, 3)
    level_value = jnp.transpose(active_value, (0, 2, 1, 3)).reshape(B * K, N, d_head)
    norm_coords = (all_coords - scale_min[:, None, :]) / denom[:, None, :]

    # interpolate_features_optimized
    src_coords = jnp.tile(norm_coords, (K, 1, 1))  # (B*K, N, 3)
    q_flat = norm_locs.reshape(B * K, Lq * N_POINTS, 3)
    qq = jnp.sum(q_flat ** 2, axis=-1)
    ss = jnp.sum(src_coords ** 2, axis=-1)
    cross = jnp.einsum('bqd,bnd->bqn', q_flat, src_coords)
    sq = qq[:, :, None] + ss[:, None, :] - 2.0 * cross
    dist = jnp.sqrt(jnp.maximum(sq, 1e-12))  # torch.cdist equivalent
    neg_topk, knn_idx = jax.lax.top_k(-dist, KNN)  # k smallest
    topk_dist = -neg_topk
    w = 1.0 / (topk_dist + 1e-07)
    w = w / jnp.sum(w, axis=-1, keepdims=True)
    gathered = jnp.take_along_axis(level_value[:, :, None, :], knn_idx[..., None], axis=1)  # (B*K, Lq*P, KNN, d_head)
    gathered = gathered.reshape(B * K, Lq, N_POINTS, KNN, d_head)
    w = w.reshape(B * K, Lq, N_POINTS, KNN)
    interpolated = jnp.sum(gathered * w[..., None], axis=-2)  # (B*K, Lq, P, d_head)
    interpolated = jnp.transpose(interpolated, (0, 3, 1, 2))  # (B*K, d_head, Lq, P)

    aw = jnp.transpose(attn_w, (0, 2, 1, 3)).reshape(B * K, 1, Lq, N_POINTS)
    out = jnp.sum(interpolated * aw, axis=-1)  # (B*K, d_head, Lq)
    out = out.reshape(B, K * d_head, Lq)
    out = jnp.transpose(out, (0, 2, 1))  # (B, Lq, d_model)
    return out @ W_out + b_out

if __name__ == "__main__":
    import jax
    _d = setup_inputs()
    print(jax.jit(kernel)(*tuple(_d.values())))

</pallas_src>

<mosaic_0001>
#map = affine_map<(d0, d1) -> (0, 0)>
#map1 = affine_map<(d0, d1) -> (0)>
module attributes {stable_mosaic.version = 14 : i64} {
  func.func @_sc_gather(%arg0: i32, %arg1: i32, %arg2: memref<8192x128xf32, #tpu.memory_space<hbm>>, %arg3: memref<98304xi32, #tpu.memory_space<hbm>>, %arg4: memref<98304x128xf32, #tpu.memory_space<hbm>>, %arg5: memref<128xi32, #tpu.memory_space<vmem>>, %arg6: memref<128x128xf32, #tpu.memory_space<vmem>>, %arg7: memref<!tpu.dma_semaphore, #tpu.memory_space<semaphore_mem>>) attributes {dimension_semantics = [#tpu.dimension_semantics<core_parallel>, #tpu.dimension_semantics<subcore_parallel>], iteration_bounds = array<i64: 2, 16>, scalar_prefetch = 0 : i64, scratch_operands = 3 : i64, tpu.core_type = #tpu.core_type<sc_vector_subcore>, window_params = [{transform_indices = #map}, {transform_indices = #map1}, {transform_indices = #map}]} {
    %mul3A = arith.constant 2 : i32
    %mul3A_0 = arith.muli %arg1, %mul3A : i32
    %add3A = arith.addi %mul3A_0, %arg0 : i32
    %mul3A_1 = arith.constant 3072 : i32
    %mul3A_2 = arith.muli %add3A, %mul3A_1 : i32
    %scan3A = arith.constant 0 : i32
    %scan3A_3 = arith.constant 0 : i32
    %scan3A_4 = arith.constant 24 : i32
    %scan3A_5 = arith.addi %scan3A_3, %scan3A_4 : i32
    %scan3A_6 = arith.constant 1 : i32
    scf.for %scan3A_8 = %scan3A_3 to %scan3A_5 step %scan3A_6  : i32 {
      %mul3A_9 = arith.constant 128 : i32
      %mul3A_10 = arith.muli %scan3A_8, %mul3A_9 : i32
      %add3A_11 = arith.addi %mul3A_2, %mul3A_10 : i32
      "tpu.region"() ({
        %run_scoped3A = tpu.sem_alloc : memref<!tpu.dma_semaphore, #tpu.memory_space<semaphore_mem>>
        %dma_start3A_16 = tpu.memref_slice %arg3[%add3A_11] : memref<98304xi32, #tpu.memory_space<hbm>> -> memref<128xi32, #tpu.memory_space<hbm>>
        %dma_start3A_17 = tpu.memref_slice %arg3[%add3A_11] : memref<98304xi32, #tpu.memory_space<hbm>> -> memref<128xi32, #tpu.memory_space<hbm>>
        tpu.enqueue_dma source(%dma_start3A_17 : memref<128xi32, #tpu.memory_space<hbm>>) target(%arg5 : memref<128xi32, #tpu.memory_space<vmem>>) target_semaphore(%run_scoped3A : memref<!tpu.dma_semaphore, #tpu.memory_space<semaphore_mem>>)
        %dma_wait3A_18 = tpu.memref_slice %arg3[%add3A_11] : memref<98304xi32, #tpu.memory_space<hbm>> -> memref<128xi32, #tpu.memory_space<hbm>>
        %dma_wait3A_19 = tpu.memref_slice %arg3[%add3A_11] : memref<98304xi32, #tpu.memory_space<hbm>> -> memref<128xi32, #tpu.memory_space<hbm>>
        tpu.wait_dma2 semaphore(%run_scoped3A : memref<!tpu.dma_semaphore, #tpu.memory_space<semaphore_mem>>) src(%dma_wait3A_19 : memref<128xi32, #tpu.memory_space<hbm>>) dst(%arg5 : memref<128xi32, #tpu.memory_space<vmem>>)
        tpu.yield
      }) : () -> ()
      %dma_start3A = arith.constant 0 : i32
      %dma_start3A_12 = arith.constant 0 : i32
      %dma_start3A_13 = tpu.memref_slice %arg2[%dma_start3A, %dma_start3A_12] : memref<8192x128xf32, #tpu.memory_space<hbm>> -> memref<8192x128xf32, #tpu.memory_space<hbm>>
      tpu.enqueue_indirect_dma source(%dma_start3A_13 : memref<8192x128xf32, #tpu.memory_space<hbm>>) target(%arg6 : memref<128x128xf32, #tpu.memory_space<vmem>>) offsets(%arg5 : memref<128xi32, #tpu.memory_space<vmem>>) semaphore(%arg7 : memref<!tpu.dma_semaphore, #tpu.memory_space<semaphore_mem>>)
      %dma_wait3A = arith.constant 0 : i32
      %dma_wait3A_14 = arith.constant 0 : i32
      %dma_wait3A_15 = tpu.memref_slice %arg2[%dma_wait3A, %dma_wait3A_14] : memref<8192x128xf32, #tpu.memory_space<hbm>> -> memref<8192x128xf32, #tpu.memory_space<hbm>>
      tpu.wait_indirect_dma semaphore(%arg7 : memref<!tpu.dma_semaphore, #tpu.memory_space<semaphore_mem>>) src(%dma_wait3A_15 : memref<8192x128xf32, #tpu.memory_space<hbm>>) dst(%arg6 : memref<128x128xf32, #tpu.memory_space<vmem>>)
      "tpu.region"() ({
        %run_scoped3A = tpu.sem_alloc : memref<!tpu.dma_semaphore, #tpu.memory_space<semaphore_mem>>
        %dma_start3A_16 = arith.constant 0 : i32
        %dma_start3A_17 = tpu.memref_slice %arg4[%add3A_11, %dma_start3A_16] : memref<98304x128xf32, #tpu.memory_space<hbm>> -> memref<128x128xf32, #tpu.memory_space<hbm>>
        %dma_start3A_18 = arith.constant 0 : i32
        %dma_start3A_19 = tpu.memref_slice %arg4[%add3A_11, %dma_start3A_18] : memref<98304x128xf32, #tpu.memory_space<hbm>> -> memref<128x128xf32, #tpu.memory_space<hbm>>
        tpu.enqueue_dma source(%arg6 : memref<128x128xf32, #tpu.memory_space<vmem>>) target(%dma_start3A_19 : memref<128x128xf32, #tpu.memory_space<hbm>>) target_semaphore(%run_scoped3A : memref<!tpu.dma_semaphore, #tpu.memory_space<semaphore_mem>>)
        %dma_wait3A_20 = arith.constant 0 : i32
        %dma_wait3A_21 = tpu.memref_slice %arg4[%add3A_11, %dma_wait3A_20] : memref<98304x128xf32, #tpu.memory_space<hbm>> -> memref<128x128xf32, #tpu.memory_space<hbm>>
        %dma_wait3A_22 = arith.constant 0 : i32
        %dma_wait3A_23 = tpu.memref_slice %arg4[%add3A_11, %dma_wait3A_22] : memref<98304x128xf32, #tpu.memory_space<hbm>> -> memref<128x128xf32, #tpu.memory_space<hbm>>
        tpu.wait_dma2 semaphore(%run_scoped3A : memref<!tpu.dma_semaphore, #tpu.memory_space<semaphore_mem>>) src(%arg6 : memref<128x128xf32, #tpu.memory_space<vmem>>) dst(%dma_wait3A_23 : memref<128x128xf32, #tpu.memory_space<hbm>>)
        tpu.yield
      }) : () -> ()
    }
    %scan3A_7 = arith.constant 24 : i32
    return
  }
}

module attributes {stable_mosaic.version = 14 : i64} {
  func.func @_proj_kernel(%arg0: memref<1024x512xf32, #tpu.memory_space<vmem>>, %arg1: memref<512x104xf32, #tpu.memory_space<vmem>>, %arg2: memref<1x104xf32, #tpu.memory_space<vmem>>, %arg3: memref<512x312xf32, #tpu.memory_space<vmem>>, %arg4: memref<1x312xf32, #tpu.memory_space<vmem>>, %arg5: memref<1024x512xf32, #tpu.memory_space<vmem>>, %arg6: memref<512x1664xf32, #tpu.memory_space<vmem>>, %arg7: memref<1x1664xf32, #tpu.memory_space<vmem>>, %arg8: memref<1024x104xf32, #tpu.memory_space<vmem>>, %arg9: memref<1024x312xf32, #tpu.memory_space<vmem>>, %arg10: memref<1024x1664xf32, #tpu.memory_space<vmem>>, %arg11: memref<8x1024x1xi32, #tpu.memory_space<vmem>>) attributes {dimension_semantics = [], scalar_prefetch = 0 : i64, scratch_operands = 0 : i64, tpu.core_type = #tpu.core_type<tc>} {
    %get3A = arith.constant 0 : index
    %get3A_0 = arith.constant 0 : index
    %get3A_1 = vector.load %arg0[%get3A, %get3A_0] : memref<1024x512xf32, #tpu.memory_space<vmem>>, vector<1024x512xf32>
    %get3A_2 = arith.constant 0 : index
    %get3A_3 = arith.constant 0 : index
    %get3A_4 = vector.load %arg1[%get3A_2, %get3A_3] : memref<512x104xf32, #tpu.memory_space<vmem>>, vector<512x104xf32>
    %dot_general3A = arith.constant dense<0.000000e+00> : vector<1024x104xf32>
    %dot_general3A_5 = tpu.matmul %get3A_1, %get3A_4, %dot_general3A {dimension_numbers = #tpu.dot_dimension_numbers<[1], [0], [0], [1], [0, 0, 1, 1], [], []>, transpose_lhs_hint = false} : vector<1024x512xf32>, vector<512x104xf32>, vector<1024x104xf32> -> vector<1024x104xf32>
    %get3A_6 = arith.constant 0 : index
    %get3A_7 = arith.constant 0 : index
    %get3A_8 = vector.load %arg2[%get3A_6, %get3A_7] : memref<1x104xf32, #tpu.memory_space<vmem>>, vector<1x104xf32>
    %add3A = vector.broadcast %get3A_8 : vector<1x104xf32> to vector<1024x104xf32>
    %add3A_9 = arith.addf %dot_general3A_5, %add3A : vector<1024x104xf32>
    %swap3A = arith.constant 0 : index
    %swap3A_10 = arith.constant 0 : index
    %swap3A_11 = vector.load %arg8[%swap3A, %swap3A_10] : memref<1024x104xf32, #tpu.memory_space<vmem>>, vector<1024x104xf32>
    tpu.vector_store %arg8[%swap3A, %swap3A_10], %add3A_9 {strides = array<i32>} : memref<1024x104xf32, #tpu.memory_space<vmem>>, vector<1024x104xf32>,
    %get3A_12 = arith.constant 0 : index
    %get3A_13 = arith.constant 0 : index
    %get3A_14 = vector.load %arg3[%get3A_12, %get3A_13] : memref<512x312xf32, #tpu.memory_space<vmem>>, vector<512x312xf32>
    %dot_general3A_15 = arith.constant dense<0.000000e+00> : vector<1024x312xf32>
    %dot_general3A_16 = tpu.matmul %get3A_1, %get3A_14, %dot_general3A_15 {dimension_numbers = #tpu.dot_dimension_numbers<[1], [0], [0], [1], [0, 0, 1, 1], [], []>, transpose_lhs_hint = false} : vector<1024x512xf32>, vector<512x312xf32>, vector<1024x312xf32> -> vector<1024x312xf32>
    %get3A_17 = arith.constant 0 : index
    %get3A_18 = arith.constant 0 : index
    %get3A_19 = vector.load %arg4[%get3A_17, %get3A_18] : memref<1x312xf32, #tpu.memory_space<vmem>>, vector<1x312xf32>
    %add3A_20 = vector.broadcast %get3A_19 : vector<1x312xf32> to vector<1024x312xf32>
    %add3A_21 = arith.addf %dot_general3A_16, %add3A_20 : vector<1024x312xf32>
    %swap3A_22 = arith.constant 0 : index
    %swap3A_23 = arith.constant 0 : index
    %swap3A_24 = vector.load %arg9[%swap3A_22, %swap3A_23] : memref<1024x312xf32, #tpu.memory_space<vmem>>, vector<1024x312xf32>
    tpu.vector_store %arg9[%swap3A_22, %swap3A_23], %add3A_21 {strides = array<i32>} : memref<1024x312xf32, #tpu.memory_space<vmem>>, vector<1024x312xf32>,
    %get3A_25 = arith.constant 0 : index
    %get3A_26 = arith.constant 0 : index
    %get3A_27 = vector.load %arg5[%get3A_25, %get3A_26] : memref<1024x512xf32, #tpu.memory_space<vmem>>, vector<1024x512xf32>
    %get3A_28 = arith.constant 0 : index
    %get3A_29 = arith.constant 0 : index
    %get3A_30 = vector.load %arg6[%get3A_28, %get3A_29] : memref<512x1664xf32, #tpu.memory_space<vmem>>, vector<512x1664xf32>
    %dot_general3A_31 = arith.constant dense<0.000000e+00> : vector<1024x1664xf32>
    %dot_general3A_32 = tpu.matmul %get3A_27, %get3A_30, %dot_general3A_31 {dimension_numbers = #tpu.dot_dimension_numbers<[1], [0], [0], [1], [0, 0, 1, 1], [], []>, transpose_lhs_hint = false} : vector<1024x512xf32>, vector<512x1664xf32>, vector<1024x1664xf32> -> vector<1024x1664xf32>
    %get3A_33 = arith.constant 0 : index
    %get3A_34 = arith.constant 0 : index
    %get3A_35 = vector.load %arg7[%get3A_33, %get3A_34] : memref<1x1664xf32, #tpu.memory_space<vmem>>, vector<1x1664xf32>
    %add3A_36 = vector.broadcast %get3A_35 : vector<1x1664xf32> to vector<1024x1664xf32>
    %add3A_37 = arith.addf %dot_general3A_32, %add3A_36 : vector<1024x1664xf32>
    %swap3A_38 = arith.constant 0 : index
    %swap3A_39 = arith.constant 0 : index
    %swap3A_40 = vector.load %arg10[%swap3A_38, %swap3A_39] : memref<1024x1664xf32, #tpu.memory_space<vmem>>, vector<1024x1664xf32>
    tpu.vector_store %arg10[%swap3A_38, %swap3A_39], %add3A_37 {strides = array<i32>} : memref<1024x1664xf32, #tpu.memory_space<vmem>>, vector<1024x1664xf32>,
    %iota3A = tpu.iota {dimensions = array<i32: 0>} : vector<104x26xi32>
    %iota3A_41 = tpu.iota {dimensions = array<i32: 1>} : vector<104x26xi32>
    %jit3A = arith.constant 4 : i32
    %div3A = vector.broadcast %jit3A : i32 to vector<104x26xi32>
    %div3A_42 = arith.divsi %iota3A, %div3A : vector<104x26xi32>
    %sign3A = arith.constant 0 : i32
    %sign3A_43 = vector.broadcast %sign3A : i32 to vector<104x26xi32>
    %sign3A_44 = arith.cmpi sgt, %iota3A, %sign3A_43 : vector<104x26xi32>
    %sign3A_45 = arith.extui %sign3A_44 : vector<104x26xi1> to vector<104x26xi32>
    %sign3A_46 = arith.constant 0 : i32
    %sign3A_47 = vector.broadcast %sign3A_46 : i32 to vector<104x26xi32>
    %sign3A_48 = arith.cmpi slt, %iota3A, %sign3A_47 : vector<104x26xi32>
    %sign3A_49 = arith.extui %sign3A_48 : vector<104x26xi1> to vector<104x26xi32>
    %sign3A_50 = arith.subi %sign3A_45, %sign3A_49 : vector<104x26xi32>
    %sign3A_51 = arith.constant 0 : i32
    %sign3A_52 = arith.cmpi sgt, %jit3A, %sign3A_51 : i32
    %sign3A_53 = arith.extui %sign3A_52 : i1 to i32
    %sign3A_54 = arith.constant 0 : i32
    %sign3A_55 = arith.cmpi slt, %jit3A, %sign3A_54 : i32
    %sign3A_56 = arith.extui %sign3A_55 : i1 to i32
    %sign3A_57 = arith.subi %sign3A_53, %sign3A_56 : i32
    %ne3A = vector.broadcast %sign3A_57 : i32 to vector<104x26xi32>
    %ne3A_58 = arith.cmpi ne, %sign3A_50, %ne3A : vector<104x26xi32>
    %rem3A = vector.broadcast %jit3A : i32 to vector<104x26xi32>
    %rem3A_59 = arith.remsi %iota3A, %rem3A : vector<104x26xi32>
    %ne3A_60 = arith.constant 0 : i32
    %ne3A_61 = vector.broadcast %ne3A_60 : i32 to vector<104x26xi32>
    %ne3A_62 = arith.cmpi ne, %rem3A_59, %ne3A_61 : vector<104x26xi32>
    %and3A = arith.andi %ne3A_58, %ne3A_62 : vector<104x26xi1>
    %sub3A = arith.constant 1 : i32
    %sub3A_63 = vector.broadcast %sub3A : i32 to vector<104x26xi32>
    %sub3A_64 = arith.subi %div3A_42, %sub3A_63 : vector<104x26xi32>
    %select_n3A = arith.select %and3A, %sub3A_64, %div3A_42 : vector<104x26xi1>, vector<104x26xi32>
    %eq3A = arith.cmpi eq, %select_n3A, %iota3A_41 : vector<104x26xi32>
    %convert_element_type3A = arith.extui %eq3A : vector<104x26xi1> to vector<104x26xi32>
    %convert_element_type3A_65 = arith.sitofp %convert_element_type3A : vector<104x26xi32> to vector<104x26xf32>
    %dot_general3A_66 = arith.constant dense<0.000000e+00> : vector<1024x26xf32>
    %dot_general3A_67 = tpu.matmul %add3A_9, %convert_element_type3A_65, %dot_general3A_66 {dimension_numbers = #tpu.dot_dimension_numbers<[1], [0], [0], [1], [0, 0, 1, 1], [], []>, precision = #tpu.contract_precision<fp32>, transpose_lhs_hint = false} : vector<1024x104xf32>, vector<104x26xf32>, vector<1024x26xf32> -> vector<1024x26xf32>
    %iota3A_68 = tpu.iota {dimensions = array<i32: 1>} : vector<1024x26xi32>
    %reduce_max3A = arith.constant dense<0xFF800000> : vector<1024xf32>
    %reduce_max3A_69 = vector.multi_reduction <maximumf>, %dot_general3A_67, %reduce_max3A [1] : vector<1024x26xf32> to vector<1024xf32>
    %broadcast_in_dim3A = vector.shape_cast %reduce_max3A_69 : vector<1024xf32> to vector<1024x1xf32>
    %eq3A_70 = vector.broadcast %broadcast_in_dim3A : vector<1024x1xf32> to vector<1024x26xf32>
    %eq3A_71 = arith.cmpf oeq, %dot_general3A_67, %eq3A_70 : vector<1024x26xf32>
    %jit3A_72 = arith.constant 26 : i32
    %broadcast_in_dim3A_73 = vector.broadcast %jit3A_72 : i32 to vector<1024x26xi32>
    %select_n3A_74 = arith.select %eq3A_71, %iota3A_68, %broadcast_in_dim3A_73 : vector<1024x26xi1>, vector<1024x26xi32>
    %reduce_min3A = arith.constant dense<2147483647> : vector<1024xi32>
    %reduce_min3A_75 = vector.multi_reduction <minsi>, %select_n3A_74, %reduce_min3A [1] : vector<1024x26xi32> to vector<1024xi32>
    %broadcast_in_dim3A_76 = vector.shape_cast %reduce_min3A_75 : vector<1024xi32> to vector<1024x1xi32>
    %swap3A_77 = arith.constant 0 : index
    %swap3A_78 = arith.constant 0 : index
    %swap3A_79 = arith.constant 0 : index
    %swap3A_80 = vector.load %arg11[%swap3A_77, %swap3A_78, %swap3A_79] : memref<8x1024x1xi32, #tpu.memory_space<vmem>>, vector<1x1024x1xi32>
    %swap3A_81 = vector.shape_cast %swap3A_80 : vector<1x1024x1xi32> to vector<1024x1xi32>
    %swap3A_82 = vector.shape_cast %broadcast_in_dim3A_76 : vector<1024x1xi32> to vector<1x1024x1xi32>
    tpu.vector_store %arg11[%swap3A_77, %swap3A_78, %swap3A_79], %swap3A_82 {strides = array<i32>} : memref<8x1024x1xi32, #tpu.memory_space<vmem>>, vector<1x1024x1xi32>,
    %eq3A_83 = vector.broadcast %broadcast_in_dim3A_76 : vector<1024x1xi32> to vector<1024x26xi32>
    %eq3A_84 = arith.cmpi eq, %iota3A_68, %eq3A_83 : vector<1024x26xi32>
    %jit3A_85 = arith.constant -3.400000e+38 : f32
    %broadcast_in_dim3A_86 = vector.broadcast %jit3A_85 : f32 to vector<1024x26xf32>
    %select_n3A_87 = arith.select %eq3A_84, %broadcast_in_dim3A_86, %dot_general3A_67 : vector<1024x26xi1>, vector<1024x26xf32>
    %reduce_max3A_88 = arith.constant dense<0xFF800000> : vector<1024xf32>
    %reduce_max3A_89 = vector.multi_reduction <maximumf>, %select_n3A_87, %reduce_max3A_88 [1] : vector<1024x26xf32> to vector<1024xf32>
    %broadcast_in_dim3A_90 = vector.shape_cast %reduce_max3A_89 : vector<1024xf32> to vector<1024x1xf32>
    %eq3A_91 = vector.broadcast %broadcast_in_dim3A_90 : vector<1024x1xf32> to vector<1024x26xf32>
    %eq3A_92 = arith.cmpf oeq, %select_n3A_87, %eq3A_91 : vector<1024x26xf32>
    %jit3A_93 = arith.constant 26 : i32
    %broadcast_in_dim3A_94 = vector.broadcast %jit3A_93 : i32 to vector<1024x26xi32>
    %select_n3A_95 = arith.select %eq3A_92, %iota3A_68, %broadcast_in_dim3A_94 : vector<1024x26xi1>, vector<1024x26xi32>
    %reduce_min3A_96 = arith.constant dense<2147483647> : vector<1024xi32>
    %reduce_min3A_97 = vector.multi_reduction <minsi>, %select_n3A_95, %reduce_min3A_96 [1] : vector<1024x26xi32> to vector<1024xi32>
    %broadcast_in_dim3A_98 = vector.shape_cast %reduce_min3A_97 : vector<1024xi32> to vector<1024x1xi32>
    %swap3A_99 = arith.constant 1 : index
    %swap3A_100 = arith.constant 0 : index
    %swap3A_101 = arith.constant 0 : index
    %swap3A_102 = vector.load %arg11[%swap3A_99, %swap3A_100, %swap3A_101] : memref<8x1024x1xi32, #tpu.memory_space<vmem>>, vector<1x1024x1xi32>
    %swap3A_103 = vector.shape_cast %swap3A_102 : vector<1x1024x1xi32> to vector<1024x1xi32>
    %swap3A_104 = vector.shape_cast %broadcast_in_dim3A_98 : vector<1024x1xi32> to vector<1x1024x1xi32>
    tpu.vector_store %arg11[%swap3A_99, %swap3A_100, %swap3A_101], %swap3A_104 {strides = array<i32>} : memref<8x1024x1xi32, #tpu.memory_space<vmem>>, vector<1x1024x1xi32>,
    %eq3A_105 = vector.broadcast %broadcast_in_dim3A_98 : vector<1024x1xi32> to vector<1024x26xi32>
    %eq3A_106 = arith.cmpi eq, %iota3A_68, %eq3A_105 : vector<1024x26xi32>
    %jit3A_107 = arith.constant -3.400000e+38 : f32
    %broadcast_in_dim3A_108 = vector.broadcast %jit3A_107 : f32 to vector<1024x26xf32>
    %select_n3A_109 = arith.select %eq3A_106, %broadcast_in_dim3A_108, %select_n3A_87 : vector<1024x26xi1>, vector<1024x26xf32>
    %reduce_max3A_110 = arith.constant dense<0xFF800000> : vector<1024xf32>
    %reduce_max3A_111 = vector.multi_reduction <maximumf>, %select_n3A_109, %reduce_max3A_110 [1] : vector<1024x26xf32> to vector<1024xf32>
    %broadcast_in_dim3A_112 = vector.shape_cast %reduce_max3A_111 : vector<1024xf32> to vector<1024x1xf32>
    %eq3A_113 = vector.broadcast %broadcast_in_dim3A_112 : vector<1024x1xf32> to vector<1024x26xf32>
    %eq3A_114 = arith.cmpf oeq, %select_n3A_109, %eq3A_113 : vector<1024x26xf32>
    %jit3A_115 = arith.constant 26 : i32
    %broadcast_in_dim3A_116 = vector.broadcast %jit3A_115 : i32 to vector<1024x26xi32>
    %select_n3A_117 = arith.select %eq3A_114, %iota3A_68, %broadcast_in_dim3A_116 : vector<1024x26xi1>, vector<1024x26xi32>
    %reduce_min3A_118 = arith.constant dense<2147483647> : vector<1024xi32>
    %reduce_min3A_119 = vector.multi_reduction <minsi>, %select_n3A_117, %reduce_min3A_118 [1] : vector<1024x26xi32> to vector<1024xi32>
    %broadcast_in_dim3A_120 = vector.shape_cast %reduce_min3A_119 : vector<1024xi32> to vector<1024x1xi32>
    %swap3A_121 = arith.constant 2 : index
    %swap3A_122 = arith.constant 0 : index
    %swap3A_123 = arith.constant 0 : index
    %swap3A_124 = vector.load %arg11[%swap3A_121, %swap3A_122, %swap3A_123] : memref<8x1024x1xi32, #tpu.memory_space<vmem>>, vector<1x1024x1xi32>
    %swap3A_125 = vector.shape_cast %swap3A_124 : vector<1x1024x1xi32> to vector<1024x1xi32>
    %swap3A_126 = vector.shape_cast %broadcast_in_dim3A_120 : vector<1024x1xi32> to vector<1x1024x1xi32>
    tpu.vector_store %arg11[%swap3A_121, %swap3A_122, %swap3A_123], %swap3A_126 {strides = array<i32>} : memref<8x1024x1xi32, #tpu.memory_space<vmem>>, vector<1x1024x1xi32>,
    %eq3A_127 = vector.broadcast %broadcast_in_dim3A_120 : vector<1024x1xi32> to vector<1024x26xi32>
    %eq3A_128 = arith.cmpi eq, %iota3A_68, %eq3A_127 : vector<1024x26xi32>
    %jit3A_129 = arith.constant -3.400000e+38 : f32
    %broadcast_in_dim3A_130 = vector.broadcast %jit3A_129 : f32 to vector<1024x26xf32>
    %select_n3A_131 = arith.select %eq3A_128, %broadcast_in_dim3A_130, %select_n3A_109 : vector<1024x26xi1>, vector<1024x26xf32>
    %reduce_max3A_132 = arith.constant dense<0xFF800000> : vector<1024xf32>
    %reduce_max3A_133 = vector.multi_reduction <maximumf>, %select_n3A_131, %reduce_max3A_132 [1] : vector<1024x26xf32> to vector<1024xf32>
    %broadcast_in_dim3A_134 = vector.shape_cast %reduce_max3A_133 : vector<1024xf32> to vector<1024x1xf32>
    %eq3A_135 = vector.broadcast %broadcast_in_dim3A_134 : vector<1024x1xf32> to vector<1024x26xf32>
    %eq3A_136 = arith.cmpf oeq, %select_n3A_131, %eq3A_135 : vector<1024x26xf32>
    %jit3A_137 = arith.constant 26 : i32
    %broadcast_in_dim3A_138 = vector.broadcast %jit3A_137 : i32 to vector<1024x26xi32>
    %select_n3A_139 = arith.select %eq3A_136, %iota3A_68, %broadcast_in_dim3A_138 : vector<1024x26xi1>, vector<1024x26xi32>
    %reduce_min3A_140 = arith.constant dense<2147483647> : vector<1024xi32>
    %reduce_min3A_141 = vector.multi_reduction <minsi>, %select_n3A_139, %reduce_min3A_140 [1] : vector<1024x26xi32> to vector<1024xi32>
    %broadcast_in_dim3A_142 = vector.shape_cast %reduce_min3A_141 : vector<1024xi32> to vector<1024x1xi32>
    %swap3A_143 = arith.constant 3 : index
    %swap3A_144 = arith.constant 0 : index
    %swap3A_145 = arith.constant 0 : index
    %swap3A_146 = vector.load %arg11[%swap3A_143, %swap3A_144, %swap3A_145] : memref<8x1024x1xi32, #tpu.memory_space<vmem>>, vector<1x1024x1xi32>
    %swap3A_147 = vector.shape_cast %swap3A_146 : vector<1x1024x1xi32> to vector<1024x1xi32>
    %swap3A_148 = vector.shape_cast %broadcast_in_dim3A_142 : vector<1024x1xi32> to vector<1x1024x1xi32>
    tpu.vector_store %arg11[%swap3A_143, %swap3A_144, %swap3A_145], %swap3A_148 {strides = array<i32>} : memref<8x1024x1xi32, #tpu.memory_space<vmem>>, vector<1x1024x1xi32>,
    %eq3A_149 = vector.broadcast %broadcast_in_dim3A_142 : vector<1024x1xi32> to vector<1024x26xi32>
    %eq3A_150 = arith.cmpi eq, %iota3A_68, %eq3A_149 : vector<1024x26xi32>
    %jit3A_151 = arith.constant -3.400000e+38 : f32
    %broadcast_in_dim3A_152 = vector.broadcast %jit3A_151 : f32 to vector<1024x26xf32>
    %select_n3A_153 = arith.select %eq3A_150, %broadcast_in_dim3A_152, %select_n3A_131 : vector<1024x26xi1>, vector<1024x26xf32>
    %reduce_max3A_154 = arith.constant dense<0xFF800000> : vector<1024xf32>
    %reduce_max3A_155 = vector.multi_reduction <maximumf>, %select_n3A_153, %reduce_max3A_154 [1] : vector<1024x26xf32> to vector<1024xf32>
    %broadcast_in_dim3A_156 = vector.shape_cast %reduce_max3A_155 : vector<1024xf32> to vector<1024x1xf32>
    %eq3A_157 = vector.broadcast %broadcast_in_dim3A_156 : vector<1024x1xf32> to vector<1024x26xf32>
    %eq3A_158 = arith.cmpf oeq, %select_n3A_153, %eq3A_157 : vector<1024x26xf32>
    %jit3A_159 = arith.constant 26 : i32
    %broadcast_in_dim3A_160 = vector.broadcast %jit3A_159 : i32 to vector<1024x26xi32>
    %select_n3A_161 = arith.select %eq3A_158, %iota3A_68, %broadcast_in_dim3A_160 : vector<1024x26xi1>, vector<1024x26xi32>
    %reduce_min3A_162 = arith.constant dense<2147483647> : vector<1024xi32>
    %reduce_min3A_163 = vector.multi_reduction <minsi>, %select_n3A_161, %reduce_min3A_162 [1] : vector<1024x26xi32> to vector<1024xi32>
    %broadcast_in_dim3A_164 = vector.shape_cast %reduce_min3A_163 : vector<1024xi32> to vector<1024x1xi32>
    %swap3A_165 = arith.constant 4 : index
    %swap3A_166 = arith.constant 0 : index
    %swap3A_167 = arith.constant 0 : index
    %swap3A_168 = vector.load %arg11[%swap3A_165, %swap3A_166, %swap3A_167] : memref<8x1024x1xi32, #tpu.memory_space<vmem>>, vector<1x1024x1xi32>
    %swap3A_169 = vector.shape_cast %swap3A_168 : vector<1x1024x1xi32> to vector<1024x1xi32>
    %swap3A_170 = vector.shape_cast %broadcast_in_dim3A_164 : vector<1024x1xi32> to vector<1x1024x1xi32>
    tpu.vector_store %arg11[%swap3A_165, %swap3A_166, %swap3A_167], %swap3A_170 {strides = array<i32>} : memref<8x1024x1xi32, #tpu.memory_space<vmem>>, vector<1x1024x1xi32>,
    %eq3A_171 = vector.broadcast %broadcast_in_dim3A_164 : vector<1024x1xi32> to vector<1024x26xi32>
    %eq3A_172 = arith.cmpi eq, %iota3A_68, %eq3A_171 : vector<1024x26xi32>
    %jit3A_173 = arith.constant -3.400000e+38 : f32
    %broadcast_in_dim3A_174 = vector.broadcast %jit3A_173 : f32 to vector<1024x26xf32>
    %select_n3A_175 = arith.select %eq3A_172, %broadcast_in_dim3A_174, %select_n3A_153 : vector<1024x26xi1>, vector<1024x26xf32>
    %reduce_max3A_176 = arith.constant dense<0xFF800000> : vector<1024xf32>
    %reduce_max3A_177 = vector.multi_reduction <maximumf>, %select_n3A_175, %reduce_max3A_176 [1] : vector<1024x26xf32> to vector<1024xf32>
    %broadcast_in_dim3A_178 = vector.shape_cast %reduce_max3A_177 : vector<1024xf32> to vector<1024x1xf32>
    %eq3A_179 = vector.broadcast %broadcast_in_dim3A_178 : vector<1024x1xf32> to vector<1024x26xf32>
    %eq3A_180 = arith.cmpf oeq, %select_n3A_175, %eq3A_179 : vector<1024x26xf32>
    %jit3A_181 = arith.constant 26 : i32
    %broadcast_in_dim3A_182 = vector.broadcast %jit3A_181 : i32 to vector<1024x26xi32>
    %select_n3A_183 = arith.select %eq3A_180, %iota3A_68, %broadcast_in_dim3A_182 : vector<1024x26xi1>, vector<1024x26xi32>
    %reduce_min3A_184 = arith.constant dense<2147483647> : vector<1024xi32>
    %reduce_min3A_185 = vector.multi_reduction <minsi>, %select_n3A_183, %reduce_min3A_184 [1] : vector<1024x26xi32> to vector<1024xi32>
    %broadcast_in_dim3A_186 = vector.shape_cast %reduce_min3A_185 : vector<1024xi32> to vector<1024x1xi32>
    %swap3A_187 = arith.constant 5 : index
    %swap3A_188 = arith.constant 0 : index
    %swap3A_189 = arith.constant 0 : index
    %swap3A_190 = vector.load %arg11[%swap3A_187, %swap3A_188, %swap3A_189] : memref<8x1024x1xi32, #tpu.memory_space<vmem>>, vector<1x1024x1xi32>
    %swap3A_191 = vector.shape_cast %swap3A_190 : vector<1x1024x1xi32> to vector<1024x1xi32>
    %swap3A_192 = vector.shape_cast %broadcast_in_dim3A_186 : vector<1024x1xi32> to vector<1x1024x1xi32>
    tpu.vector_store %arg11[%swap3A_187, %swap3A_188, %swap3A_189], %swap3A_192 {strides = array<i32>} : memref<8x1024x1xi32, #tpu.memory_space<vmem>>, vector<1x1024x1xi32>,
    %eq3A_193 = vector.broadcast %broadcast_in_dim3A_186 : vector<1024x1xi32> to vector<1024x26xi32>
    %eq3A_194 = arith.cmpi eq, %iota3A_68, %eq3A_193 : vector<1024x26xi32>
    %jit3A_195 = arith.constant -3.400000e+38 : f32
    %broadcast_in_dim3A_196 = vector.broadcast %jit3A_195 : f32 to vector<1024x26xf32>
    %select_n3A_197 = arith.select %eq3A_194, %broadcast_in_dim3A_196, %select_n3A_175 : vector<1024x26xi1>, vector<1024x26xf32>
    %reduce_max3A_198 = arith.constant dense<0xFF800000> : vector<1024xf32>
    %reduce_max3A_199 = vector.multi_reduction <maximumf>, %select_n3A_197, %reduce_max3A_198 [1] : vector<1024x26xf32> to vector<1024xf32>
    %broadcast_in_dim3A_200 = vector.shape_cast %reduce_max3A_199 : vector<1024xf32> to vector<1024x1xf32>
    %eq3A_201 = vector.broadcast %broadcast_in_dim3A_200 : vector<1024x1xf32> to vector<1024x26xf32>
    %eq3A_202 = arith.cmpf oeq, %select_n3A_197, %eq3A_201 : vector<1024x26xf32>
    %jit3A_203 = arith.constant 26 : i32
    %broadcast_in_dim3A_204 = vector.broadcast %jit3A_203 : i32 to vector<1024x26xi32>
    %select_n3A_205 = arith.select %eq3A_202, %iota3A_68, %broadcast_in_dim3A_204 : vector<1024x26xi1>, vector<1024x26xi32>
    %reduce_min3A_206 = arith.constant dense<2147483647> : vector<1024xi32>
    %reduce_min3A_207 = vector.multi_reduction <minsi>, %select_n3A_205, %reduce_min3A_206 [1] : vector<1024x26xi32> to vector<1024xi32>
    %broadcast_in_dim3A_208 = vector.shape_cast %reduce_min3A_207 : vector<1024xi32> to vector<1024x1xi32>
    %swap3A_209 = arith.constant 6 : index
    %swap3A_210 = arith.constant 0 : index
    %swap3A_211 = arith.constant 0 : index
    %swap3A_212 = vector.load %arg11[%swap3A_209, %swap3A_210, %swap3A_211] : memref<8x1024x1xi32, #tpu.memory_space<vmem>>, vector<1x1024x1xi32>
    %swap3A_213 = vector.shape_cast %swap3A_212 : vector<1x1024x1xi32> to vector<1024x1xi32>
    %swap3A_214 = vector.shape_cast %broadcast_in_dim3A_208 : vector<1024x1xi32> to vector<1x1024x1xi32>
    tpu.vector_store %arg11[%swap3A_209, %swap3A_210, %swap3A_211], %swap3A_214 {strides = array<i32>} : memref<8x1024x1xi32, #tpu.memory_space<vmem>>, vector<1x1024x1xi32>,
    %eq3A_215 = vector.broadcast %broadcast_in_dim3A_208 : vector<1024x1xi32> to vector<1024x26xi32>
    %eq3A_216 = arith.cmpi eq, %iota3A_68, %eq3A_215 : vector<1024x26xi32>
    %jit3A_217 = arith.constant -3.400000e+38 : f32
    %broadcast_in_dim3A_218 = vector.broadcast %jit3A_217 : f32 to vector<1024x26xf32>
    %select_n3A_219 = arith.select %eq3A_216, %broadcast_in_dim3A_218, %select_n3A_197 : vector<1024x26xi1>, vector<1024x26xf32>
    %reduce_max3A_220 = arith.constant dense<0xFF800000> : vector<1024xf32>
    %reduce_max3A_221 = vector.multi_reduction <maximumf>, %select_n3A_219, %reduce_max3A_220 [1] : vector<1024x26xf32> to vector<1024xf32>
    %broadcast_in_dim3A_222 = vector.shape_cast %reduce_max3A_221 : vector<1024xf32> to vector<1024x1xf32>
    %eq3A_223 = vector.broadcast %broadcast_in_dim3A_222 : vector<1024x1xf32> to vector<1024x26xf32>
    %eq3A_224 = arith.cmpf oeq, %select_n3A_219, %eq3A_223 : vector<1024x26xf32>
    %jit3A_225 = arith.constant 26 : i32
    %broadcast_in_dim3A_226 = vector.broadcast %jit3A_225 : i32 to vector<1024x26xi32>
    %select_n3A_227 = arith.select %eq3A_224, %iota3A_68, %broadcast_in_dim3A_226 : vector<1024x26xi1>, vector<1024x26xi32>
    %reduce_min3A_228 = arith.constant dense<2147483647> : vector<1024xi32>
    %reduce_min3A_229 = vector.multi_reduction <minsi>, %select_n3A_227, %reduce_min3A_228 [1] : vector<1024x26xi32> to vector<1024xi32>
    %broadcast_in_dim3A_230 = vector.shape_cast %reduce_min3A_229 : vector<1024xi32> to vector<1024x1xi32>
    %swap3A_231 = arith.constant 7 : index
    %swap3A_232 = arith.constant 0 : index
    %swap3A_233 = arith.constant 0 : index
    %swap3A_234 = vector.load %arg11[%swap3A_231, %swap3A_232, %swap3A_233] : memref<8x1024x1xi32, #tpu.memory_space<vmem>>, vector<1x1024x1xi32>
    %swap3A_235 = vector.shape_cast %swap3A_234 : vector<1x1024x1xi32> to vector<1024x1xi32>
    %swap3A_236 = vector.shape_cast %broadcast_in_dim3A_230 : vector<1024x1xi32> to vector<1x1024x1xi32>
    tpu.vector_store %arg11[%swap3A_231, %swap3A_232, %swap3A_233], %swap3A_236 {strides = array<i32>} : memref<8x1024x1xi32, #tpu.memory_space<vmem>>, vector<1x1024x1xi32>,
    return
  }
}

module attributes {stable_mosaic.version = 14 : i64} {
  func.func @_level_kernel(%arg0: i32, %arg1: memref<1x1024x1xi32, #tpu.memory_space<vmem>>, %arg2: memref<1024x104xf32, #tpu.memory_space<vmem>>, %arg3: memref<1024x312xf32, #tpu.memory_space<vmem>>, %arg4: memref<1024x1664xf32, #tpu.memory_space<vmem>>, %arg5: memref<1024x12xf32, #tpu.memory_space<vmem>>, %arg6: memref<1x12xf32, #tpu.memory_space<vmem>>, %arg7: memref<1x12xf32, #tpu.memory_space<vmem>>, %arg8: memref<3x1024xf32, #tpu.memory_space<vmem>>, %arg9: memref<1x1024x128xf32, #tpu.memory_space<vmem>>, %arg10: memref<1x1024x12xi32, #tpu.memory_space<vmem>>, %arg11: memref<1x1024x12xf32, #tpu.memory_space<vmem>>) attributes {dimension_semantics = [#tpu.dimension_semantics<arbitrary>], iteration_bounds = array<i64: 8>, scalar_prefetch = 0 : i64, scratch_operands = 0 : i64, tpu.core_type = #tpu.core_type<tc>, window_params = [{transform_indices = @transform_0, window_bounds = array<i64: 1, 1024, 1>}, {pipeline_mode = #tpu.pipeline_mode<synchronous>, transform_indices = @transform_1, window_bounds = array<i64: 1024, 104>}, {pipeline_mode = #tpu.pipeline_mode<synchronous>, transform_indices = @transform_2, window_bounds = array<i64: 1024, 312>}, {pipeline_mode = #tpu.pipeline_mode<synchronous>, transform_indices = @transform_3, window_bounds = array<i64: 1024, 1664>}, {pipeline_mode = #tpu.pipeline_mode<synchronous>, transform_indices = @transform_4, window_bounds = array<i64: 1024, 12>}, {pipeline_mode = #tpu.pipeline_mode<synchronous>, transform_indices = @transform_5, window_bounds = array<i64: 1, 12>}, {pipeline_mode = #tpu.pipeline_mode<synchronous>, transform_indices = @transform_6, window_bounds = array<i64: 1, 12>}, {pipeline_mode = #tpu.pipeline_mode<synchronous>, transform_indices = @transform_7, window_bounds = array<i64: 3, 1024>}, {transform_indices = @transform_8, window_bounds = array<i64: 1, 1024, 128>}, {transform_indices = @transform_9, window_bounds = array<i64: 1, 1024, 12>}, {transform_indices = @transform_10, window_bounds = array<i64: 1, 1024, 12>}]} {
    %get3A = arith.constant 0 : index
    %get3A_0 = arith.constant 0 : index
    %get3A_1 = arith.constant 0 : index
    %get3A_2 = vector.load %arg1[%get3A, %get3A_0, %get3A_1] : memref<1x1024x1xi32, #tpu.memory_space<vmem>>, vector<1x1024x1xi32>
    %get3A_3 = vector.shape_cast %get3A_2 : vector<1x1024x1xi32> to vector<1024x1xi32>
    %iota3A = tpu.iota {dimensions = array<i32: 1>} : vector<1024x104xi32>
    %jit3A = arith.constant 4 : i32
    %div3A = vector.broadcast %jit3A : i32 to vector<1024x104xi32>
    %div3A_4 = arith.divsi %iota3A, %div3A : vector<1024x104xi32>
    %sign3A = arith.constant 0 : i32
    %sign3A_5 = vector.broadcast %sign3A : i32 to vector<1024x104xi32>
    %sign3A_6 = arith.cmpi sgt, %iota3A, %sign3A_5 : vector<1024x104xi32>
    %sign3A_7 = arith.extui %sign3A_6 : vector<1024x104xi1> to vector<1024x104xi32>
    %sign3A_8 = arith.constant 0 : i32
    %sign3A_9 = vector.broadcast %sign3A_8 : i32 to vector<1024x104xi32>
    %sign3A_10 = arith.cmpi slt, %iota3A, %sign3A_9 : vector<1024x104xi32>
    %sign3A_11 = arith.extui %sign3A_10 : vector<1024x104xi1> to vector<1024x104xi32>
    %sign3A_12 = arith.subi %sign3A_7, %sign3A_11 : vector<1024x104xi32>
    %sign3A_13 = arith.constant 0 : i32
    %sign3A_14 = arith.cmpi sgt, %jit3A, %sign3A_13 : i32
    %sign3A_15 = arith.extui %sign3A_14 : i1 to i32
    %sign3A_16 = arith.constant 0 : i32
    %sign3A_17 = arith.cmpi slt, %jit3A, %sign3A_16 : i32
    %sign3A_18 = arith.extui %sign3A_17 : i1 to i32
    %sign3A_19 = arith.subi %sign3A_15, %sign3A_18 : i32
    %ne3A = vector.broadcast %sign3A_19 : i32 to vector<1024x104xi32>
    %ne3A_20 = arith.cmpi ne, %sign3A_12, %ne3A : vector<1024x104xi32>
    %rem3A = vector.broadcast %jit3A : i32 to vector<1024x104xi32>
    %rem3A_21 = arith.remsi %iota3A, %rem3A : vector<1024x104xi32>
    %ne3A_22 = arith.constant 0 : i32
    %ne3A_23 = vector.broadcast %ne3A_22 : i32 to vector<1024x104xi32>
    %ne3A_24 = arith.cmpi ne, %rem3A_21, %ne3A_23 : vector<1024x104xi32>
    %and3A = arith.andi %ne3A_20, %ne3A_24 : vector<1024x104xi1>
    %sub3A = arith.constant 1 : i32
    %sub3A_25 = vector.broadcast %sub3A : i32 to vector<1024x104xi32>
    %sub3A_26 = arith.subi %div3A_4, %sub3A_25 : vector<1024x104xi32>
    %select_n3A = arith.select %and3A, %sub3A_26, %div3A_4 : vector<1024x104xi1>, vector<1024x104xi32>
    %eq3A = vector.broadcast %get3A_3 : vector<1024x1xi32> to vector<1024x104xi32>
    %eq3A_27 = arith.cmpi eq, %select_n3A, %eq3A : vector<1024x104xi32>
    %get3A_28 = arith.constant 0 : index
    %get3A_29 = arith.constant 0 : index
    %get3A_30 = vector.load %arg2[%get3A_28, %get3A_29] : memref<1024x104xf32, #tpu.memory_space<vmem>>, vector<1024x104xf32>
    %jit3A_31 = arith.constant 0.000000e+00 : f32
    %broadcast_in_dim3A = vector.broadcast %jit3A_31 : f32 to vector<1024x104xf32>
    %select_n3A_32 = arith.select %eq3A_27, %get3A_30, %broadcast_in_dim3A : vector<1024x104xi1>, vector<1024x104xf32>
    %iota3A_33 = tpu.iota {dimensions = array<i32: 0>} : vector<104x4xi32>
    %iota3A_34 = tpu.iota {dimensions = array<i32: 1>} : vector<104x4xi32>
    %jit3A_35 = arith.constant 4 : i32
    %eq3A_36 = arith.constant 0 : i32
    %eq3A_37 = arith.cmpi eq, %jit3A_35, %eq3A_36 : i32
    %jit3A_38 = arith.constant 1 : i32
    %select_n3A_39 = arith.select %eq3A_37, %jit3A_38, %jit3A_35 : i32
    %rem3A_40 = vector.broadcast %select_n3A_39 : i32 to vector<104x4xi32>
    %rem3A_41 = arith.remsi %iota3A_33, %rem3A_40 : vector<104x4xi32>
    %ne3A_42 = arith.constant 0 : i32
    %ne3A_43 = vector.broadcast %ne3A_42 : i32 to vector<104x4xi32>
    %ne3A_44 = arith.cmpi ne, %rem3A_41, %ne3A_43 : vector<104x4xi32>
    %lt3A = arith.constant 0 : i32
    %lt3A_45 = vector.broadcast %lt3A : i32 to vector<104x4xi32>
    %lt3A_46 = arith.cmpi slt, %rem3A_41, %lt3A_45 : vector<104x4xi32>
    %lt3A_47 = arith.constant 0 : i32
    %lt3A_48 = arith.cmpi slt, %select_n3A_39, %lt3A_47 : i32
    %ne3A_49 = vector.broadcast %lt3A_48 : i1 to vector<104x4xi1>
    %ne3A_50 = vector.broadcast %ne3A_49 : vector<104x4xi1> to vector<104x4xi1>
    %ne3A_51 = arith.xori %lt3A_46, %ne3A_50 : vector<104x4xi1>
    %and3A_52 = arith.andi %ne3A_51, %ne3A_44 : vector<104x4xi1>
    %add3A = vector.broadcast %select_n3A_39 : i32 to vector<104x4xi32>
    %add3A_53 = arith.addi %rem3A_41, %add3A : vector<104x4xi32>
    %select_n3A_54 = arith.select %and3A_52, %add3A_53, %rem3A_41 : vector<104x4xi1>, vector<104x4xi32>
    %eq3A_55 = arith.cmpi eq, %select_n3A_54, %iota3A_34 : vector<104x4xi32>
    %convert_element_type3A = arith.extui %eq3A_55 : vector<104x4xi1> to vector<104x4xi32>
    %convert_element_type3A_56 = arith.sitofp %convert_element_type3A : vector<104x4xi32> to vector<104x4xf32>
    %dot_general3A = arith.constant dense<0.000000e+00> : vector<1024x4xf32>
    %dot_general3A_57 = tpu.matmul %select_n3A_32, %convert_element_type3A_56, %dot_general3A {dimension_numbers = #tpu.dot_dimension_numbers<[1], [0], [0], [1], [0, 0, 1, 1], [], []>, precision = #tpu.contract_precision<fp32>, transpose_lhs_hint = false} : vector<1024x104xf32>, vector<104x4xf32>, vector<1024x4xf32> -> vector<1024x4xf32>
    %iota3A_58 = tpu.iota {dimensions = array<i32: 1>} : vector<1024x312xi32>
    %jit3A_59 = arith.constant 12 : i32
    %div3A_60 = vector.broadcast %jit3A_59 : i32 to vector<1024x312xi32>
    %div3A_61 = arith.divsi %iota3A_58, %div3A_60 : vector<1024x312xi32>
    %sign3A_62 = arith.constant 0 : i32
    %sign3A_63 = vector.broadcast %sign3A_62 : i32 to vector<1024x312xi32>
    %sign3A_64 = arith.cmpi sgt, %iota3A_58, %sign3A_63 : vector<1024x312xi32>
    %sign3A_65 = arith.extui %sign3A_64 : vector<1024x312xi1> to vector<1024x312xi32>
    %sign3A_66 = arith.constant 0 : i32
    %sign3A_67 = vector.broadcast %sign3A_66 : i32 to vector<1024x312xi32>
    %sign3A_68 = arith.cmpi slt, %iota3A_58, %sign3A_67 : vector<1024x312xi32>
    %sign3A_69 = arith.extui %sign3A_68 : vector<1024x312xi1> to vector<1024x312xi32>
    %sign3A_70 = arith.subi %sign3A_65, %sign3A_69 : vector<1024x312xi32>
    %sign3A_71 = arith.constant 0 : i32
    %sign3A_72 = arith.cmpi sgt, %jit3A_59, %sign3A_71 : i32
    %sign3A_73 = arith.extui %sign3A_72 : i1 to i32
    %sign3A_74 = arith.constant 0 : i32
    %sign3A_75 = arith.cmpi slt, %jit3A_59, %sign3A_74 : i32
    %sign3A_76 = arith.extui %sign3A_75 : i1 to i32
    %sign3A_77 = arith.subi %sign3A_73, %sign3A_76 : i32
    %ne3A_78 = vector.broadcast %sign3A_77 : i32 to vector<1024x312xi32>
    %ne3A_79 = arith.cmpi ne, %sign3A_70, %ne3A_78 : vector<1024x312xi32>
    %rem3A_80 = vector.broadcast %jit3A_59 : i32 to vector<1024x312xi32>
    %rem3A_81 = arith.remsi %iota3A_58, %rem3A_80 : vector<1024x312xi32>
    %ne3A_82 = arith.constant 0 : i32
    %ne3A_83 = vector.broadcast %ne3A_82 : i32 to vector<1024x312xi32>
    %ne3A_84 = arith.cmpi ne, %rem3A_81, %ne3A_83 : vector<1024x312xi32>
    %and3A_85 = arith.andi %ne3A_79, %ne3A_84 : vector<1024x312xi1>
    %sub3A_86 = arith.constant 1 : i32
    %sub3A_87 = vector.broadcast %sub3A_86 : i32 to vector<1024x312xi32>
    %sub3A_88 = arith.subi %div3A_61, %sub3A_87 : vector<1024x312xi32>
    %select_n3A_89 = arith.select %and3A_85, %sub3A_88, %div3A_61 : vector<1024x312xi1>, vector<1024x312xi32>
    %eq3A_90 = vector.broadcast %get3A_3 : vector<1024x1xi32> to vector<1024x312xi32>
    %eq3A_91 = arith.cmpi eq, %select_n3A_89, %eq3A_90 : vector<1024x312xi32>
    %get3A_92 = arith.constant 0 : index
    %get3A_93 = arith.constant 0 : index
    %get3A_94 = vector.load %arg3[%get3A_92, %get3A_93] : memref<1024x312xf32, #tpu.memory_space<vmem>>, vector<1024x312xf32>
    %jit3A_95 = arith.constant 0.000000e+00 : f32
    %broadcast_in_dim3A_96 = vector.broadcast %jit3A_95 : f32 to vector<1024x312xf32>
    %select_n3A_97 = arith.select %eq3A_91, %get3A_94, %broadcast_in_dim3A_96 : vector<1024x312xi1>, vector<1024x312xf32>
    %iota3A_98 = tpu.iota {dimensions = array<i32: 0>} : vector<312x12xi32>
    %iota3A_99 = tpu.iota {dimensions = array<i32: 1>} : vector<312x12xi32>
    %jit3A_100 = arith.constant 12 : i32
    %eq3A_101 = arith.constant 0 : i32
    %eq3A_102 = arith.cmpi eq, %jit3A_100, %eq3A_101 : i32
    %jit3A_103 = arith.constant 1 : i32
    %select_n3A_104 = arith.select %eq3A_102, %jit3A_103, %jit3A_100 : i32
    %rem3A_105 = vector.broadcast %select_n3A_104 : i32 to vector<312x12xi32>
    %rem3A_106 = arith.remsi %iota3A_98, %rem3A_105 : vector<312x12xi32>
    %ne3A_107 = arith.constant 0 : i32
    %ne3A_108 = vector.broadcast %ne3A_107 : i32 to vector<312x12xi32>
    %ne3A_109 = arith.cmpi ne, %rem3A_106, %ne3A_108 : vector<312x12xi32>
    %lt3A_110 = arith.constant 0 : i32
    %lt3A_111 = vector.broadcast %lt3A_110 : i32 to vector<312x12xi32>
    %lt3A_112 = arith.cmpi slt, %rem3A_106, %lt3A_111 : vector<312x12xi32>
    %lt3A_113 = arith.constant 0 : i32
    %lt3A_114 = arith.cmpi slt, %select_n3A_104, %lt3A_113 : i32
    %ne3A_115 = vector.broadcast %lt3A_114 : i1 to vector<312x12xi1>
    %ne3A_116 = vector.broadcast %ne3A_115 : vector<312x12xi1> to vector<312x12xi1>
    %ne3A_117 = arith.xori %lt3A_112, %ne3A_116 : vector<312x12xi1>
    %and3A_118 = arith.andi %ne3A_117, %ne3A_109 : vector<312x12xi1>
    %add3A_119 = vector.broadcast %select_n3A_104 : i32 to vector<312x12xi32>
    %add3A_120 = arith.addi %rem3A_106, %add3A_119 : vector<312x12xi32>
    %select_n3A_121 = arith.select %and3A_118, %add3A_120, %rem3A_106 : vector<312x12xi1>, vector<312x12xi32>
    %eq3A_122 = arith.cmpi eq, %select_n3A_121, %iota3A_99 : vector<312x12xi32>
    %convert_element_type3A_123 = arith.extui %eq3A_122 : vector<312x12xi1> to vector<312x12xi32>
    %convert_element_type3A_124 = arith.sitofp %convert_element_type3A_123 : vector<312x12xi32> to vector<312x12xf32>
    %dot_general3A_125 = arith.constant dense<0.000000e+00> : vector<1024x12xf32>
    %dot_general3A_126 = tpu.matmul %select_n3A_97, %convert_element_type3A_124, %dot_general3A_125 {dimension_numbers = #tpu.dot_dimension_numbers<[1], [0], [0], [1], [0, 0, 1, 1], [], []>, precision = #tpu.contract_precision<fp32>, transpose_lhs_hint = false} : vector<1024x312xf32>, vector<312x12xf32>, vector<1024x12xf32> -> vector<1024x12xf32>
    %iota3A_127 = tpu.iota {dimensions = array<i32: 1>} : vector<1024x1664xi32>
    %jit3A_128 = arith.constant 64 : i32
    %div3A_129 = vector.broadcast %jit3A_128 : i32 to vector<1024x1664xi32>
    %div3A_130 = arith.divsi %iota3A_127, %div3A_129 : vector<1024x1664xi32>
    %sign3A_131 = arith.constant 0 : i32
    %sign3A_132 = vector.broadcast %sign3A_131 : i32 to vector<1024x1664xi32>
    %sign3A_133 = arith.cmpi sgt, %iota3A_127, %sign3A_132 : vector<1024x1664xi32>
    %sign3A_134 = arith.extui %sign3A_133 : vector<1024x1664xi1> to vector<1024x1664xi32>
    %sign3A_135 = arith.constant 0 : i32
    %sign3A_136 = vector.broadcast %sign3A_135 : i32 to vector<1024x1664xi32>
    %sign3A_137 = arith.cmpi slt, %iota3A_127, %sign3A_136 : vector<1024x1664xi32>
    %sign3A_138 = arith.extui %sign3A_137 : vector<1024x1664xi1> to vector<1024x1664xi32>
    %sign3A_139 = arith.subi %sign3A_134, %sign3A_138 : vector<1024x1664xi32>
    %sign3A_140 = arith.constant 0 : i32
    %sign3A_141 = arith.cmpi sgt, %jit3A_128, %sign3A_140 : i32
    %sign3A_142 = arith.extui %sign3A_141 : i1 to i32
    %sign3A_143 = arith.constant 0 : i32
    %sign3A_144 = arith.cmpi slt, %jit3A_128, %sign3A_143 : i32
    %sign3A_145 = arith.extui %sign3A_144 : i1 to i32
    %sign3A_146 = arith.subi %sign3A_142, %sign3A_145 : i32
    %ne3A_147 = vector.broadcast %sign3A_146 : i32 to vector<1024x1664xi32>
    %ne3A_148 = arith.cmpi ne, %sign3A_139, %ne3A_147 : vector<1024x1664xi32>
    %rem3A_149 = vector.broadcast %jit3A_128 : i32 to vector<1024x1664xi32>
    %rem3A_150 = arith.remsi %iota3A_127, %rem3A_149 : vector<1024x1664xi32>
    %ne3A_151 = arith.constant 0 : i32
    %ne3A_152 = vector.broadcast %ne3A_151 : i32 to vector<1024x1664xi32>
    %ne3A_153 = arith.cmpi ne, %rem3A_150, %ne3A_152 : vector<1024x1664xi32>
    %and3A_154 = arith.andi %ne3A_148, %ne3A_153 : vector<1024x1664xi1>
    %sub3A_155 = arith.constant 1 : i32
    %sub3A_156 = vector.broadcast %sub3A_155 : i32 to vector<1024x1664xi32>
    %sub3A_157 = arith.subi %div3A_130, %sub3A_156 : vector<1024x1664xi32>
    %select_n3A_158 = arith.select %and3A_154, %sub3A_157, %div3A_130 : vector<1024x1664xi1>, vector<1024x1664xi32>
    %eq3A_159 = vector.broadcast %get3A_3 : vector<1024x1xi32> to vector<1024x1664xi32>
    %eq3A_160 = arith.cmpi eq, %select_n3A_158, %eq3A_159 : vector<1024x1664xi32>
    %get3A_161 = arith.constant 0 : index
    %get3A_162 = arith.constant 0 : index
    %get3A_163 = vector.load %arg4[%get3A_161, %get3A_162] : memref<1024x1664xf32, #tpu.memory_space<vmem>>, vector<1024x1664xf32>
    %jit3A_164 = arith.constant 0.000000e+00 : f32
    %broadcast_in_dim3A_165 = vector.broadcast %jit3A_164 : f32 to vector<1024x1664xf32>
    %select_n3A_166 = arith.select %eq3A_160, %get3A_163, %broadcast_in_dim3A_165 : vector<1024x1664xi1>, vector<1024x1664xf32>
    %iota3A_167 = tpu.iota {dimensions = array<i32: 0>} : vector<1664x64xi32>
    %iota3A_168 = tpu.iota {dimensions = array<i32: 1>} : vector<1664x64xi32>
    %jit3A_169 = arith.constant 64 : i32
    %eq3A_170 = arith.constant 0 : i32
    %eq3A_171 = arith.cmpi eq, %jit3A_169, %eq3A_170 : i32
    %jit3A_172 = arith.constant 1 : i32
    %select_n3A_173 = arith.select %eq3A_171, %jit3A_172, %jit3A_169 : i32
    %rem3A_174 = vector.broadcast %select_n3A_173 : i32 to vector<1664x64xi32>
    %rem3A_175 = arith.remsi %iota3A_167, %rem3A_174 : vector<1664x64xi32>
    %ne3A_176 = arith.constant 0 : i32
    %ne3A_177 = vector.broadcast %ne3A_176 : i32 to vector<1664x64xi32>
    %ne3A_178 = arith.cmpi ne, %rem3A_175, %ne3A_177 : vector<1664x64xi32>
    %lt3A_179 = arith.constant 0 : i32
    %lt3A_180 = vector.broadcast %lt3A_179 : i32 to vector<1664x64xi32>
    %lt3A_181 = arith.cmpi slt, %rem3A_175, %lt3A_180 : vector<1664x64xi32>
    %lt3A_182 = arith.constant 0 : i32
    %lt3A_183 = arith.cmpi slt, %select_n3A_173, %lt3A_182 : i32
    %ne3A_184 = vector.broadcast %lt3A_183 : i1 to vector<1664x64xi1>
    %ne3A_185 = vector.broadcast %ne3A_184 : vector<1664x64xi1> to vector<1664x64xi1>
    %ne3A_186 = arith.xori %lt3A_181, %ne3A_185 : vector<1664x64xi1>
    %and3A_187 = arith.andi %ne3A_186, %ne3A_178 : vector<1664x64xi1>
    %add3A_188 = vector.broadcast %select_n3A_173 : i32 to vector<1664x64xi32>
    %add3A_189 = arith.addi %rem3A_175, %add3A_188 : vector<1664x64xi32>
    %select_n3A_190 = arith.select %and3A_187, %add3A_189, %rem3A_175 : vector<1664x64xi1>, vector<1664x64xi32>
    %eq3A_191 = arith.cmpi eq, %select_n3A_190, %iota3A_168 : vector<1664x64xi32>
    %convert_element_type3A_192 = arith.extui %eq3A_191 : vector<1664x64xi1> to vector<1664x64xi32>
    %convert_element_type3A_193 = arith.sitofp %convert_element_type3A_192 : vector<1664x64xi32> to vector<1664x64xf32>
    %dot_general3A_194 = arith.constant dense<0.000000e+00> : vector<1024x64xf32>
    %dot_general3A_195 = tpu.matmul %select_n3A_166, %convert_element_type3A_193, %dot_general3A_194 {dimension_numbers = #tpu.dot_dimension_numbers<[1], [0], [0], [1], [0, 0, 1, 1], [], []>, precision = #tpu.contract_precision<fp32>, transpose_lhs_hint = false} : vector<1024x1664xf32>, vector<1664x64xf32>, vector<1024x64xf32> -> vector<1024x64xf32>
    %swap3A = arith.constant 0 : index
    %swap3A_196 = arith.constant 0 : index
    %swap3A_197 = arith.constant 0 : index
    %swap3A_198 = vector.load %arg9[%swap3A, %swap3A_196, %swap3A_197] : memref<1x1024x128xf32, #tpu.memory_space<vmem>>, vector<1x1024x64xf32>
    %swap3A_199 = vector.shape_cast %swap3A_198 : vector<1x1024x64xf32> to vector<1024x64xf32>
    %swap3A_200 = vector.shape_cast %dot_general3A_195 : vector<1024x64xf32> to vector<1x1024x64xf32>
    tpu.vector_store %arg9[%swap3A, %swap3A_196, %swap3A_197], %swap3A_200 {strides = array<i32>} : memref<1x1024x128xf32, #tpu.memory_space<vmem>>, vector<1x1024x64xf32>,
    %broadcast_in_dim3A_201 = arith.constant 0.000000e+00 : f32
    %broadcast_in_dim3A_202 = vector.broadcast %broadcast_in_dim3A_201 : f32 to vector<1024x64xf32>
    %swap3A_203 = arith.constant 0 : index
    %swap3A_204 = arith.constant 0 : index
    %swap3A_205 = arith.constant 64 : index
    %swap3A_206 = vector.load %arg9[%swap3A_203, %swap3A_204, %swap3A_205] : memref<1x1024x128xf32, #tpu.memory_space<vmem>>, vector<1x1024x64xf32>
    %swap3A_207 = vector.shape_cast %swap3A_206 : vector<1x1024x64xf32> to vector<1024x64xf32>
    %swap3A_208 = vector.shape_cast %broadcast_in_dim3A_202 : vector<1024x64xf32> to vector<1x1024x64xf32>
    tpu.vector_store %arg9[%swap3A_203, %swap3A_204, %swap3A_205], %swap3A_208 {strides = array<i32>} : memref<1x1024x128xf32, #tpu.memory_space<vmem>>, vector<1x1024x64xf32>,
    %reduce_max3A = arith.constant dense<0xFF800000> : vector<1024xf32>
    %reduce_max3A_209 = vector.multi_reduction <maximumf>, %dot_general3A_57, %reduce_max3A [1] : vector<1024x4xf32> to vector<1024xf32>
    %broadcast_in_dim3A_210 = vector.shape_cast %reduce_max3A_209 : vector<1024xf32> to vector<1024x1xf32>
    %sub3A_211 = vector.broadcast %broadcast_in_dim3A_210 : vector<1024x1xf32> to vector<1024x4xf32>
    %sub3A_212 = arith.subf %dot_general3A_57, %sub3A_211 : vector<1024x4xf32>
    %exp3A = math.exp %sub3A_212 : vector<1024x4xf32>
    %reduce_sum3A = arith.constant dense<0.000000e+00> : vector<1024xf32>
    %reduce_sum3A_213 = vector.multi_reduction <add>, %exp3A, %reduce_sum3A [1] : vector<1024x4xf32> to vector<1024xf32>
    %broadcast_in_dim3A_214 = vector.shape_cast %reduce_sum3A_213 : vector<1024xf32> to vector<1024x1xf32>
    %div3A_215 = vector.broadcast %broadcast_in_dim3A_214 : vector<1024x1xf32> to vector<1024x4xf32>
    %div3A_216 = arith.divf %exp3A, %div3A_215 : vector<1024x4xf32>
    %get3A_217 = arith.constant 0 : index
    %get3A_218 = arith.constant 0 : index
    %get3A_219 = vector.load %arg5[%get3A_217, %get3A_218] : memref<1024x12xf32, #tpu.memory_space<vmem>>, vector<1024x12xf32>
    %add3A_220 = arith.addf %get3A_219, %dot_general3A_126 : vector<1024x12xf32>
    %get3A_221 = arith.constant 0 : index
    %get3A_222 = arith.constant 0 : index
    %get3A_223 = vector.load %arg6[%get3A_221, %get3A_222] : memref<1x12xf32, #tpu.memory_space<vmem>>, vector<1x12xf32>
    %sub3A_224 = vector.broadcast %get3A_223 : vector<1x12xf32> to vector<1024x12xf32>
    %sub3A_225 = arith.subf %add3A_220, %sub3A_224 : vector<1024x12xf32>
    %get3A_226 = arith.constant 0 : index
    %get3A_227 = arith.constant 0 : index
    %get3A_228 = vector.load %arg7[%get3A_226, %get3A_227] : memref<1x12xf32, #tpu.memory_space<vmem>>, vector<1x12xf32>
    %div3A_229 = vector.broadcast %get3A_228 : vector<1x12xf32> to vector<1024x12xf32>
    %div3A_230 = arith.divf %sub3A_225, %div3A_229 : vector<1024x12xf32>
    %get3A_231 = arith.constant 0 : index
    %get3A_232 = arith.constant 0 : index
    %get3A_233 = vector.load %arg8[%get3A_231, %get3A_232] : memref<3x1024xf32, #tpu.memory_space<vmem>>, vector<3x1024xf32>
    %slice3A = vector.extract_strided_slice %get3A_233 {offsets = [0, 0], sizes = [1, 1024], strides = [1, 1]} : vector<3x1024xf32> to vector<1x1024xf32>
    %slice3A_234 = vector.extract_strided_slice %get3A_233 {offsets = [1, 0], sizes = [1, 1024], strides = [1, 1]} : vector<3x1024xf32> to vector<1x1024xf32>
    %slice3A_235 = vector.extract_strided_slice %get3A_233 {offsets = [2, 0], sizes = [1, 1024], strides = [1, 1]} : vector<3x1024xf32> to vector<1x1024xf32>
    %mul3A = arith.mulf %slice3A, %slice3A : vector<1x1024xf32>
    %mul3A_236 = arith.mulf %slice3A_234, %slice3A_234 : vector<1x1024xf32>
    %add3A_237 = arith.addf %mul3A, %mul3A_236 : vector<1x1024xf32>
    %mul3A_238 = arith.mulf %slice3A_235, %slice3A_235 : vector<1x1024xf32>
    %add3A_239 = arith.addf %add3A_237, %mul3A_238 : vector<1x1024xf32>
    %iota3A_240 = tpu.iota {dimensions = array<i32: 1>} : vector<1024x1024xi32>
    %slice3A_241 = vector.extract_strided_slice %div3A_230 {offsets = [0, 0], sizes = [1024, 3], strides = [1, 1]} : vector<1024x12xf32> to vector<1024x3xf32>
    %slice3A_242 = vector.extract_strided_slice %slice3A_241 {offsets = [0, 0], sizes = [1024, 1], strides = [1, 1]} : vector<1024x3xf32> to vector<1024x1xf32>
    %slice3A_243 = vector.extract_strided_slice %slice3A_241 {offsets = [0, 1], sizes = [1024, 1], strides = [1, 1]} : vector<1024x3xf32> to vector<1024x1xf32>
    %slice3A_244 = vector.extract_strided_slice %slice3A_241 {offsets = [0, 2], sizes = [1024, 1], strides = [1, 1]} : vector<1024x3xf32> to vector<1024x1xf32>
    %mul3A_245 = arith.mulf %slice3A_242, %slice3A_242 : vector<1024x1xf32>
    %mul3A_246 = arith.mulf %slice3A_243, %slice3A_243 : vector<1024x1xf32>
    %add3A_247 = arith.addf %mul3A_245, %mul3A_246 : vector<1024x1xf32>
    %mul3A_248 = arith.mulf %slice3A_244, %slice3A_244 : vector<1024x1xf32>
    %add3A_249 = arith.addf %add3A_247, %mul3A_248 : vector<1024x1xf32>
    %dot_general3A_250 = arith.constant dense<0.000000e+00> : vector<1024x1024xf32>
    %dot_general3A_251 = tpu.matmul %slice3A_241, %get3A_233, %dot_general3A_250 {dimension_numbers = #tpu.dot_dimension_numbers<[1], [0], [0], [1], [0, 0, 1, 1], [], []>, transpose_lhs_hint = false} : vector<1024x3xf32>, vector<3x1024xf32>, vector<1024x1024xf32> -> vector<1024x1024xf32>
    %add3A_252 = vector.broadcast %add3A_249 : vector<1024x1xf32> to vector<1024x1024xf32>
    %add3A_253 = vector.broadcast %add3A_239 : vector<1x1024xf32> to vector<1024x1024xf32>
    %add3A_254 = arith.addf %add3A_252, %add3A_253 : vector<1024x1024xf32>
    %mul3A_255 = arith.constant 2.000000e+00 : f32
    %mul3A_256 = vector.broadcast %mul3A_255 : f32 to vector<1024x1024xf32>
    %mul3A_257 = arith.mulf %mul3A_256, %dot_general3A_251 : vector<1024x1024xf32>
    %sub3A_258 = arith.subf %add3A_254, %mul3A_257 : vector<1024x1024xf32>
    %max3A = arith.constant 9.99999996E-13 : f32
    %max3A_259 = vector.broadcast %max3A : f32 to vector<1024x1024xf32>
    %max3A_260 = arith.maximumf %sub3A_258, %max3A_259 : vector<1024x1024xf32>
    %reduce_min3A = arith.constant dense<0x7F800000> : vector<1024xf32>
    %reduce_min3A_261 = vector.multi_reduction <minimumf>, %max3A_260, %reduce_min3A [1] : vector<1024x1024xf32> to vector<1024xf32>
    %broadcast_in_dim3A_262 = vector.shape_cast %reduce_min3A_261 : vector<1024xf32> to vector<1024x1xf32>
    %eq3A_263 = vector.broadcast %broadcast_in_dim3A_262 : vector<1024x1xf32> to vector<1024x1024xf32>
    %eq3A_264 = arith.cmpf oeq, %max3A_260, %eq3A_263 : vector<1024x1024xf32>
    %jit3A_265 = arith.constant 1024 : i32
    %broadcast_in_dim3A_266 = vector.broadcast %jit3A_265 : i32 to vector<1024x1024xi32>
    %select_n3A_267 = arith.select %eq3A_264, %iota3A_240, %broadcast_in_dim3A_266 : vector<1024x1024xi1>, vector<1024x1024xi32>
    %reduce_min3A_268 = arith.constant dense<2147483647> : vector<1024xi32>
    %reduce_min3A_269 = vector.multi_reduction <minsi>, %select_n3A_267, %reduce_min3A_268 [1] : vector<1024x1024xi32> to vector<1024xi32>
    %broadcast_in_dim3A_270 = vector.shape_cast %reduce_min3A_269 : vector<1024xi32> to vector<1024x1xi32>
    %eq3A_271 = vector.broadcast %broadcast_in_dim3A_270 : vector<1024x1xi32> to vector<1024x1024xi32>
    %eq3A_272 = arith.cmpi eq, %iota3A_240, %eq3A_271 : vector<1024x1024xi32>
    %jit3A_273 = arith.constant 3.400000e+38 : f32
    %broadcast_in_dim3A_274 = vector.broadcast %jit3A_273 : f32 to vector<1024x1024xf32>
    %select_n3A_275 = arith.select %eq3A_272, %broadcast_in_dim3A_274, %max3A_260 : vector<1024x1024xi1>, vector<1024x1024xf32>
    %reduce_min3A_276 = arith.constant dense<0x7F800000> : vector<1024xf32>
    %reduce_min3A_277 = vector.multi_reduction <minimumf>, %select_n3A_275, %reduce_min3A_276 [1] : vector<1024x1024xf32> to vector<1024xf32>
    %broadcast_in_dim3A_278 = vector.shape_cast %reduce_min3A_277 : vector<1024xf32> to vector<1024x1xf32>
    %eq3A_279 = vector.broadcast %broadcast_in_dim3A_278 : vector<1024x1xf32> to vector<1024x1024xf32>
    %eq3A_280 = arith.cmpf oeq, %select_n3A_275, %eq3A_279 : vector<1024x1024xf32>
    %jit3A_281 = arith.constant 1024 : i32
    %broadcast_in_dim3A_282 = vector.broadcast %jit3A_281 : i32 to vector<1024x1024xi32>
    %select_n3A_283 = arith.select %eq3A_280, %iota3A_240, %broadcast_in_dim3A_282 : vector<1024x1024xi1>, vector<1024x1024xi32>
    %reduce_min3A_284 = arith.constant dense<2147483647> : vector<1024xi32>
    %reduce_min3A_285 = vector.multi_reduction <minsi>, %select_n3A_283, %reduce_min3A_284 [1] : vector<1024x1024xi32> to vector<1024xi32>
    %broadcast_in_dim3A_286 = vector.shape_cast %reduce_min3A_285 : vector<1024xi32> to vector<1024x1xi32>
    %eq3A_287 = vector.broadcast %broadcast_in_dim3A_286 : vector<1024x1xi32> to vector<1024x1024xi32>
    %eq3A_288 = arith.cmpi eq, %iota3A_240, %eq3A_287 : vector<1024x1024xi32>
    %jit3A_289 = arith.constant 3.400000e+38 : f32
    %broadcast_in_dim3A_290 = vector.broadcast %jit3A_289 : f32 to vector<1024x1024xf32>
    %select_n3A_291 = arith.select %eq3A_288, %broadcast_in_dim3A_290, %select_n3A_275 : vector<1024x1024xi1>, vector<1024x1024xf32>
    %reduce_min3A_292 = arith.constant dense<0x7F800000> : vector<1024xf32>
    %reduce_min3A_293 = vector.multi_reduction <minimumf>, %select_n3A_291, %reduce_min3A_292 [1] : vector<1024x1024xf32> to vector<1024xf32>
    %broadcast_in_dim3A_294 = vector.shape_cast %reduce_min3A_293 : vector<1024xf32> to vector<1024x1xf32>
    %eq3A_295 = vector.broadcast %broadcast_in_dim3A_294 : vector<1024x1xf32> to vector<1024x1024xf32>
    %eq3A_296 = arith.cmpf oeq, %select_n3A_291, %eq3A_295 : vector<1024x1024xf32>
    %jit3A_297 = arith.constant 1024 : i32
    %broadcast_in_dim3A_298 = vector.broadcast %jit3A_297 : i32 to vector<1024x1024xi32>
    %select_n3A_299 = arith.select %eq3A_296, %iota3A_240, %broadcast_in_dim3A_298 : vector<1024x1024xi1>, vector<1024x1024xi32>
    %reduce_min3A_300 = arith.constant dense<2147483647> : vector<1024xi32>
    %reduce_min3A_301 = vector.multi_reduction <minsi>, %select_n3A_299, %reduce_min3A_300 [1] : vector<1024x1024xi32> to vector<1024xi32>
    %broadcast_in_dim3A_302 = vector.shape_cast %reduce_min3A_301 : vector<1024xi32> to vector<1024x1xi32>
    %sqrt3A = math.sqrt %broadcast_in_dim3A_262 : vector<1024x1xf32>
    %add3A_303 = arith.constant 1.000000e-07 : f32
    %add3A_304 = vector.broadcast %add3A_303 : f32 to vector<1024x1xf32>
    %add3A_305 = arith.addf %sqrt3A, %add3A_304 : vector<1024x1xf32>
    %div3A_306 = arith.constant 1.000000e+00 : f32
    %div3A_307 = vector.broadcast %div3A_306 : f32 to vector<1024x1xf32>
    %div3A_308 = arith.divf %div3A_307, %add3A_305 : vector<1024x1xf32>
    %sqrt3A_309 = math.sqrt %broadcast_in_dim3A_278 : vector<1024x1xf32>
    %add3A_310 = arith.constant 1.000000e-07 : f32
    %add3A_311 = vector.broadcast %add3A_310 : f32 to vector<1024x1xf32>
    %add3A_312 = arith.addf %sqrt3A_309, %add3A_311 : vector<1024x1xf32>
    %div3A_313 = arith.constant 1.000000e+00 : f32
    %div3A_314 = vector.broadcast %div3A_313 : f32 to vector<1024x1xf32>
    %div3A_315 = arith.divf %div3A_314, %add3A_312 : vector<1024x1xf32>
    %sqrt3A_316 = math.sqrt %broadcast_in_dim3A_294 : vector<1024x1xf32>
    %add3A_317 = arith.constant 1.000000e-07 : f32
    %add3A_318 = vector.broadcast %add3A_317 : f32 to vector<1024x1xf32>
    %add3A_319 = arith.addf %sqrt3A_316, %add3A_318 : vector<1024x1xf32>
    %div3A_320 = arith.constant 1.000000e+00 : f32
    %div3A_321 = vector.broadcast %div3A_320 : f32 to vector<1024x1xf32>
    %div3A_322 = arith.divf %div3A_321, %add3A_319 : vector<1024x1xf32>
    %add3A_323 = arith.addf %div3A_308, %div3A_315 : vector<1024x1xf32>
    %add3A_324 = arith.addf %add3A_323, %div3A_322 : vector<1024x1xf32>
    %slice3A_325 = vector.extract_strided_slice %div3A_216 {offsets = [0, 0], sizes = [1024, 1], strides = [1, 1]} : vector<1024x4xf32> to vector<1024x1xf32>
    %mul3A_326 = arith.constant 1024 : i32
    %mul3A_327 = arith.muli %arg0, %mul3A_326 : i32
    %add3A_328 = vector.broadcast %mul3A_327 : i32 to vector<1024x1xi32>
    %add3A_329 = arith.addi %broadcast_in_dim3A_270, %add3A_328 : vector<1024x1xi32>
    %swap3A_330 = arith.constant 0 : index
    %swap3A_331 = arith.constant 0 : index
    %swap3A_332 = arith.constant 0 : index
    %swap3A_333 = vector.load %arg10[%swap3A_330, %swap3A_331, %swap3A_332] : memref<1x1024x12xi32, #tpu.memory_space<vmem>>, vector<1x1024x1xi32>
    %swap3A_334 = vector.shape_cast %swap3A_333 : vector<1x1024x1xi32> to vector<1024x1xi32>
    %swap3A_335 = vector.shape_cast %add3A_329 : vector<1024x1xi32> to vector<1x1024x1xi32>
    tpu.vector_store %arg10[%swap3A_330, %swap3A_331, %swap3A_332], %swap3A_335 {strides = array<i32>} : memref<1x1024x12xi32, #tpu.memory_space<vmem>>, vector<1x1024x1xi32>,
    %mul3A_336 = arith.mulf %slice3A_325, %div3A_308 : vector<1024x1xf32>
    %div3A_337 = arith.divf %mul3A_336, %add3A_324 : vector<1024x1xf32>
    %swap3A_338 = arith.constant 0 : index
    %swap3A_339 = arith.constant 0 : index
    %swap3A_340 = arith.constant 0 : index
    %swap3A_341 = vector.load %arg11[%swap3A_338, %swap3A_339, %swap3A_340] : memref<1x1024x12xf32, #tpu.memory_space<vmem>>, vector<1x1024x1xf32>
    %swap3A_342 = vector.shape_cast %swap3A_341 : vector<1x1024x1xf32> to vector<1024x1xf32>
    %swap3A_343 = vector.shape_cast %div3A_337 : vector<1024x1xf32> to vector<1x1024x1xf32>
    tpu.vector_store %arg11[%swap3A_338, %swap3A_339, %swap3A_340], %swap3A_343 {strides = array<i32>} : memref<1x1024x12xf32, #tpu.memory_space<vmem>>, vector<1x1024x1xf32>,
    %mul3A_344 = arith.constant 1024 : i32
    %mul3A_345 = arith.muli %arg0, %mul3A_344 : i32
    %add3A_346 = vector.broadcast %mul3A_345 : i32 to vector<1024x1xi32>
    %add3A_347 = arith.addi %broadcast_in_dim3A_286, %add3A_346 : vector<1024x1xi32>
    %swap3A_348 = arith.constant 0 : index
    %swap3A_349 = arith.constant 0 : index
    %swap3A_350 = arith.constant 1 : index
    %swap3A_351 = vector.load %arg10[%swap3A_348, %swap3A_349, %swap3A_350] : memref<1x1024x12xi32, #tpu.memory_space<vmem>>, vector<1x1024x1xi32>
    %swap3A_352 = vector.shape_cast %swap3A_351 : vector<1x1024x1xi32> to vector<1024x1xi32>
    %swap3A_353 = vector.shape_cast %add3A_347 : vector<1024x1xi32> to vector<1x1024x1xi32>
    tpu.vector_store %arg10[%swap3A_348, %swap3A_349, %swap3A_350], %swap3A_353 {strides = array<i32>} : memref<1x1024x12xi32, #tpu.memory_space<vmem>>, vector<1x1024x1xi32>,
    %mul3A_354 = arith.mulf %slice3A_325, %div3A_315 : vector<1024x1xf32>
    %div3A_355 = arith.divf %mul3A_354, %add3A_324 : vector<1024x1xf32>
    %swap3A_356 = arith.constant 0 : index
    %swap3A_357 = arith.constant 0 : index
    %swap3A_358 = arith.constant 1 : index
    %swap3A_359 = vector.load %arg11[%swap3A_356, %swap3A_357, %swap3A_358] : memref<1x1024x12xf32, #tpu.memory_space<vmem>>, vector<1x1024x1xf32>
    %swap3A_360 = vector.shape_cast %swap3A_359 : vector<1x1024x1xf32> to vector<1024x1xf32>
    %swap3A_361 = vector.shape_cast %div3A_355 : vector<1024x1xf32> to vector<1x1024x1xf32>
    tpu.vector_store %arg11[%swap3A_356, %swap3A_357, %swap3A_358], %swap3A_361 {strides = array<i32>} : memref<1x1024x12xf32, #tpu.memory_space<vmem>>, vector<1x1024x1xf32>,
    %mul3A_362 = arith.constant 1024 : i32
    %mul3A_363 = arith.muli %arg0, %mul3A_362 : i32
    %add3A_364 = vector.broadcast %mul3A_363 : i32 to vector<1024x1xi32>
    %add3A_365 = arith.addi %broadcast_in_dim3A_302, %add3A_364 : vector<1024x1xi32>
    %swap3A_366 = arith.constant 0 : index
    %swap3A_367 = arith.constant 0 : index
    %swap3A_368 = arith.constant 2 : index
    %swap3A_369 = vector.load %arg10[%swap3A_366, %swap3A_367, %swap3A_368] : memref<1x1024x12xi32, #tpu.memory_space<vmem>>, vector<1x1024x1xi32>
    %swap3A_370 = vector.shape_cast %swap3A_369 : vector<1x1024x1xi32> to vector<1024x1xi32>
    %swap3A_371 = vector.shape_cast %add3A_365 : vector<1024x1xi32> to vector<1x1024x1xi32>
    tpu.vector_store %arg10[%swap3A_366, %swap3A_367, %swap3A_368], %swap3A_371 {strides = array<i32>} : memref<1x1024x12xi32, #tpu.memory_space<vmem>>, vector<1x1024x1xi32>,
    %mul3A_372 = arith.mulf %slice3A_325, %div3A_322 : vector<1024x1xf32>
    %div3A_373 = arith.divf %mul3A_372, %add3A_324 : vector<1024x1xf32>
    %swap3A_374 = arith.constant 0 : index
    %swap3A_375 = arith.constant 0 : index
    %swap3A_376 = arith.constant 2 : index
    %swap3A_377 = vector.load %arg11[%swap3A_374, %swap3A_375, %swap3A_376] : memref<1x1024x12xf32, #tpu.memory_space<vmem>>, vector<1x1024x1xf32>
    %swap3A_378 = vector.shape_cast %swap3A_377 : vector<1x1024x1xf32> to vector<1024x1xf32>
    %swap3A_379 = vector.shape_cast %div3A_373 : vector<1024x1xf32> to vector<1x1024x1xf32>
    tpu.vector_store %arg11[%swap3A_374, %swap3A_375, %swap3A_376], %swap3A_379 {strides = array<i32>} : memref<1x1024x12xf32, #tpu.memory_space<vmem>>, vector<1x1024x1xf32>,
    %slice3A_380 = vector.extract_strided_slice %div3A_230 {offsets = [0, 3], sizes = [1024, 3], strides = [1, 1]} : vector<1024x12xf32> to vector<1024x3xf32>
    %slice3A_381 = vector.extract_strided_slice %slice3A_380 {offsets = [0, 0], sizes = [1024, 1], strides = [1, 1]} : vector<1024x3xf32> to vector<1024x1xf32>
    %slice3A_382 = vector.extract_strided_slice %slice3A_380 {offsets = [0, 1], sizes = [1024, 1], strides = [1, 1]} : vector<1024x3xf32> to vector<1024x1xf32>
    %slice3A_383 = vector.extract_strided_slice %slice3A_380 {offsets = [0, 2], sizes = [1024, 1], strides = [1, 1]} : vector<1024x3xf32> to vector<1024x1xf32>
    %mul3A_384 = arith.mulf %slice3A_381, %slice3A_381 : vector<1024x1xf32>
    %mul3A_385 = arith.mulf %slice3A_382, %slice3A_382 : vector<1024x1xf32>
    %add3A_386 = arith.addf %mul3A_384, %mul3A_385 : vector<1024x1xf32>
    %mul3A_387 = arith.mulf %slice3A_383, %slice3A_383 : vector<1024x1xf32>
    %add3A_388 = arith.addf %add3A_386, %mul3A_387 : vector<1024x1xf32>
    %dot_general3A_389 = arith.constant dense<0.000000e+00> : vector<1024x1024xf32>
    %dot_general3A_390 = tpu.matmul %slice3A_380, %get3A_233, %dot_general3A_389 {dimension_numbers = #tpu.dot_dimension_numbers<[1], [0], [0], [1], [0, 0, 1, 1], [], []>, transpose_lhs_hint = false} : vector<1024x3xf32>, vector<3x1024xf32>, vector<1024x1024xf32> -> vector<1024x1024xf32>
    %add3A_391 = vector.broadcast %add3A_388 : vector<1024x1xf32> to vector<1024x1024xf32>
    %add3A_392 = vector.broadcast %add3A_239 : vector<1x1024xf32> to vector<1024x1024xf32>
    %add3A_393 = arith.addf %add3A_391, %add3A_392 : vector<1024x1024xf32>
    %mul3A_394 = arith.constant 2.000000e+00 : f32
    %mul3A_395 = vector.broadcast %mul3A_394 : f32 to vector<1024x1024xf32>
    %mul3A_396 = arith.mulf %mul3A_395, %dot_general3A_390 : vector<1024x1024xf32>
    %sub3A_397 = arith.subf %add3A_393, %mul3A_396 : vector<1024x1024xf32>
    %max3A_398 = arith.constant 9.99999996E-13 : f32
    %max3A_399 = vector.broadcast %max3A_398 : f32 to vector<1024x1024xf32>
    %max3A_400 = arith.maximumf %sub3A_397, %max3A_399 : vector<1024x1024xf32>
    %reduce_min3A_401 = arith.constant dense<0x7F800000> : vector<1024xf32>
    %reduce_min3A_402 = vector.multi_reduction <minimumf>, %max3A_400, %reduce_min3A_401 [1] : vector<1024x1024xf32> to vector<1024xf32>
    %broadcast_in_dim3A_403 = vector.shape_cast %reduce_min3A_402 : vector<1024xf32> to vector<1024x1xf32>
    %eq3A_404 = vector.broadcast %broadcast_in_dim3A_403 : vector<1024x1xf32> to vector<1024x1024xf32>
    %eq3A_405 = arith.cmpf oeq, %max3A_400, %eq3A_404 : vector<1024x1024xf32>
    %jit3A_406 = arith.constant 1024 : i32
    %broadcast_in_dim3A_407 = vector.broadcast %jit3A_406 : i32 to vector<1024x1024xi32>
    %select_n3A_408 = arith.select %eq3A_405, %iota3A_240, %broadcast_in_dim3A_407 : vector<1024x1024xi1>, vector<1024x1024xi32>
    %reduce_min3A_409 = arith.constant dense<2147483647> : vector<1024xi32>
    %reduce_min3A_410 = vector.multi_reduction <minsi>, %select_n3A_408, %reduce_min3A_409 [1] : vector<1024x1024xi32> to vector<1024xi32>
    %broadcast_in_dim3A_411 = vector.shape_cast %reduce_min3A_410 : vector<1024xi32> to vector<1024x1xi32>
    %eq3A_412 = vector.broadcast %broadcast_in_dim3A_411 : vector<1024x1xi32> to vector<1024x1024xi32>
    %eq3A_413 = arith.cmpi eq, %iota3A_240, %eq3A_412 : vector<1024x1024xi32>
    %jit3A_414 = arith.constant 3.400000e+38 : f32
    %broadcast_in_dim3A_415 = vector.broadcast %jit3A_414 : f32 to vector<1024x1024xf32>
    %select_n3A_416 = arith.select %eq3A_413, %broadcast_in_dim3A_415, %max3A_400 : vector<1024x1024xi1>, vector<1024x1024xf32>
    %reduce_min3A_417 = arith.constant dense<0x7F800000> : vector<1024xf32>
    %reduce_min3A_418 = vector.multi_reduction <minimumf>, %select_n3A_416, %reduce_min3A_417 [1] : vector<1024x1024xf32> to vector<1024xf32>
    %broadcast_in_dim3A_419 = vector.shape_cast %reduce_min3A_418 : vector<1024xf32> to vector<1024x1xf32>
    %eq3A_420 = vector.broadcast %broadcast_in_dim3A_419 : vector<1024x1xf32> to vector<1024x1024xf32>
    %eq3A_421 = arith.cmpf oeq, %select_n3A_416, %eq3A_420 : vector<1024x1024xf32>
    %jit3A_422 = arith.constant 1024 : i32
    %broadcast_in_dim3A_423 = vector.broadcast %jit3A_422 : i32 to vector<1024x1024xi32>
    %select_n3A_424 = arith.select %eq3A_421, %iota3A_240, %broadcast_in_dim3A_423 : vector<1024x1024xi1>, vector<1024x1024xi32>
    %reduce_min3A_425 = arith.constant dense<2147483647> : vector<1024xi32>
    %reduce_min3A_426 = vector.multi_reduction <minsi>, %select_n3A_424, %reduce_min3A_425 [1] : vector<1024x1024xi32> to vector<1024xi32>
    %broadcast_in_dim3A_427 = vector.shape_cast %reduce_min3A_426 : vector<1024xi32> to vector<1024x1xi32>
    %eq3A_428 = vector.broadcast %broadcast_in_dim3A_427 : vector<1024x1xi32> to vector<1024x1024xi32>
    %eq3A_429 = arith.cmpi eq, %iota3A_240, %eq3A_428 : vector<1024x1024xi32>
    %jit3A_430 = arith.constant 3.400000e+38 : f32
    %broadcast_in_dim3A_431 = vector.broadcast %jit3A_430 : f32 to vector<1024x1024xf32>
    %select_n3A_432 = arith.select %eq3A_429, %broadcast_in_dim3A_431, %select_n3A_416 : vector<1024x1024xi1>, vector<1024x1024xf32>
    %reduce_min3A_433 = arith.constant dense<0x7F800000> : vector<1024xf32>
    %reduce_min3A_434 = vector.multi_reduction <minimumf>, %select_n3A_432, %reduce_min3A_433 [1] : vector<1024x1024xf32> to vector<1024xf32>
    %broadcast_in_dim3A_435 = vector.shape_cast %reduce_min3A_434 : vector<1024xf32> to vector<1024x1xf32>
    %eq3A_436 = vector.broadcast %broadcast_in_dim3A_435 : vector<1024x1xf32> to vector<1024x1024xf32>
    %eq3A_437 = arith.cmpf oeq, %select_n3A_432, %eq3A_436 : vector<1024x1024xf32>
    %jit3A_438 = arith.constant 1024 : i32
    %broadcast_in_dim3A_439 = vector.broadcast %jit3A_438 : i32 to vector<1024x1024xi32>
    %select_n3A_440 = arith.select %eq3A_437, %iota3A_240, %broadcast_in_dim3A_439 : vector<1024x1024xi1>, vector<1024x1024xi32>
    %reduce_min3A_441 = arith.constant dense<2147483647> : vector<1024xi32>
    %reduce_min3A_442 = vector.multi_reduction <minsi>, %select_n3A_440, %reduce_min3A_441 [1] : vector<1024x1024xi32> to vector<1024xi32>
    %broadcast_in_dim3A_443 = vector.shape_cast %reduce_min3A_442 : vector<1024xi32> to vector<1024x1xi32>
    %sqrt3A_444 = math.sqrt %broadcast_in_dim3A_403 : vector<1024x1xf32>
    %add3A_445 = arith.constant 1.000000e-07 : f32
    %add3A_446 = vector.broadcast %add3A_445 : f32 to vector<1024x1xf32>
    %add3A_447 = arith.addf %sqrt3A_444, %add3A_446 : vector<1024x1xf32>
    %div3A_448 = arith.constant 1.000000e+00 : f32
    %div3A_449 = vector.broadcast %div3A_448 : f32 to vector<1024x1xf32>
    %div3A_450 = arith.divf %div3A_449, %add3A_447 : vector<1024x1xf32>
    %sqrt3A_451 = math.sqrt %broadcast_in_dim3A_419 : vector<1024x1xf32>
    %add3A_452 = arith.constant 1.000000e-07 : f32
    %add3A_453 = vector.broadcast %add3A_452 : f32 to vector<1024x1xf32>
    %add3A_454 = arith.addf %sqrt3A_451, %add3A_453 : vector<1024x1xf32>
    %div3A_455 = arith.constant 1.000000e+00 : f32
    %div3A_456 = vector.broadcast %div3A_455 : f32 to vector<1024x1xf32>
    %div3A_457 = arith.divf %div3A_456, %add3A_454 : vector<1024x1xf32>
    %sqrt3A_458 = math.sqrt %broadcast_in_dim3A_435 : vector<1024x1xf32>
    %add3A_459 = arith.constant 1.000000e-07 : f32
    %add3A_460 = vector.broadcast %add3A_459 : f32 to vector<1024x1xf32>
    %add3A_461 = arith.addf %sqrt3A_458, %add3A_460 : vector<1024x1xf32>
    %div3A_462 = arith.constant 1.000000e+00 : f32
    %div3A_463 = vector.broadcast %div3A_462 : f32 to vector<1024x1xf32>
    %div3A_464 = arith.divf %div3A_463, %add3A_461 : vector<1024x1xf32>
    %add3A_465 = arith.addf %div3A_450, %div3A_457 : vector<1024x1xf32>
    %add3A_466 = arith.addf %add3A_465, %div3A_464 : vector<1024x1xf32>
    %slice3A_467 = vector.extract_strided_slice %div3A_216 {offsets = [0, 1], sizes = [1024, 1], strides = [1, 1]} : vector<1024x4xf32> to vector<1024x1xf32>
    %mul3A_468 = arith.constant 1024 : i32
    %mul3A_469 = arith.muli %arg0, %mul3A_468 : i32
    %add3A_470 = vector.broadcast %mul3A_469 : i32 to vector<1024x1xi32>
    %add3A_471 = arith.addi %broadcast_in_dim3A_411, %add3A_470 : vector<1024x1xi32>
    %swap3A_472 = arith.constant 0 : index
    %swap3A_473 = arith.constant 0 : index
    %swap3A_474 = arith.constant 3 : index
    %swap3A_475 = vector.load %arg10[%swap3A_472, %swap3A_473, %swap3A_474] : memref<1x1024x12xi32, #tpu.memory_space<vmem>>, vector<1x1024x1xi32>
    %swap3A_476 = vector.shape_cast %swap3A_475 : vector<1x1024x1xi32> to vector<1024x1xi32>
    %swap3A_477 = vector.shape_cast %add3A_471 : vector<1024x1xi32> to vector<1x1024x1xi32>
    tpu.vector_store %arg10[%swap3A_472, %swap3A_473, %swap3A_474], %swap3A_477 {strides = array<i32>} : memref<1x1024x12xi32, #tpu.memory_space<vmem>>, vector<1x1024x1xi32>,
    %mul3A_478 = arith.mulf %slice3A_467, %div3A_450 : vector<1024x1xf32>
    %div3A_479 = arith.divf %mul3A_478, %add3A_466 : vector<1024x1xf32>
    %swap3A_480 = arith.constant 0 : index
    %swap3A_481 = arith.constant 0 : index
    %swap3A_482 = arith.constant 3 : index
    %swap3A_483 = vector.load %arg11[%swap3A_480, %swap3A_481, %swap3A_482] : memref<1x1024x12xf32, #tpu.memory_space<vmem>>, vector<1x1024x1xf32>
    %swap3A_484 = vector.shape_cast %swap3A_483 : vector<1x1024x1xf32> to vector<1024x1xf32>
    %swap3A_485 = vector.shape_cast %div3A_479 : vector<1024x1xf32> to vector<1x1024x1xf32>
    tpu.vector_store %arg11[%swap3A_480, %swap3A_481, %swap3A_482], %swap3A_485 {strides = array<i32>} : memref<1x1024x12xf32, #tpu.memory_space<vmem>>, vector<1x1024x1xf32>,
    %mul3A_486 = arith.constant 1024 : i32
    %mul3A_487 = arith.muli %arg0, %mul3A_486 : i32
    %add3A_488 = vector.broadcast %mul3A_487 : i32 to vector<1024x1xi32>
    %add3A_489 = arith.addi %broadcast_in_dim3A_427, %add3A_488 : vector<1024x1xi32>
    %swap3A_490 = arith.constant 0 : index
    %swap3A_491 = arith.constant 0 : index
    %swap3A_492 = arith.constant 4 : index
    %swap3A_493 = vector.load %arg10[%swap3A_490, %swap3A_491, %swap3A_492] : memref<1x1024x12xi32, #tpu.memory_space<vmem>>, vector<1x1024x1xi32>
    %swap3A_494 = vector.shape_cast %swap3A_493 : vector<1x1024x1xi32> to vector<1024x1xi32>
    %swap3A_495 = vector.shape_cast %add3A_489 : vector<1024x1xi32> to vector<1x1024x1xi32>
    tpu.vector_store %arg10[%swap3A_490, %swap3A_491, %swap3A_492], %swap3A_495 {strides = array<i32>} : memref<1x1024x12xi32, #tpu.memory_space<vmem>>, vector<1x1024x1xi32>,
    %mul3A_496 = arith.mulf %slice3A_467, %div3A_457 : vector<1024x1xf32>
    %div3A_497 = arith.divf %mul3A_496, %add3A_466 : vector<1024x1xf32>
    %swap3A_498 = arith.constant 0 : index
    %swap3A_499 = arith.constant 0 : index
    %swap3A_500 = arith.constant 4 : index
    %swap3A_501 = vector.load %arg11[%swap3A_498, %swap3A_499, %swap3A_500] : memref<1x1024x12xf32, #tpu.memory_space<vmem>>, vector<1x1024x1xf32>
    %swap3A_502 = vector.shape_cast %swap3A_501 : vector<1x1024x1xf32> to vector<1024x1xf32>
    %swap3A_503 = vector.shape_cast %div3A_497 : vector<1024x1xf32> to vector<1x1024x1xf32>
    tpu.vector_store %arg11[%swap3A_498, %swap3A_499, %swap3A_500], %swap3A_503 {strides = array<i32>} : memref<1x1024x12xf32, #tpu.memory_space<vmem>>, vector<1x1024x1xf32>,
    %mul3A_504 = arith.constant 1024 : i32
    %mul3A_505 = arith.muli %arg0, %mul3A_504 : i32
    %add3A_506 = vector.broadcast %mul3A_505 : i32 to vector<1024x1xi32>
    %add3A_507 = arith.addi %broadcast_in_dim3A_443, %add3A_506 : vector<1024x1xi32>
    %swap3A_508 = arith.constant 0 : index
    %swap3A_509 = arith.constant 0 : index
    %swap3A_510 = arith.constant 5 : index
    %swap3A_511 = vector.load %arg10[%swap3A_508, %swap3A_509, %swap3A_510] : memref<1x1024x12xi32, #tpu.memory_space<vmem>>, vector<1x1024x1xi32>
    %swap3A_512 = vector.shape_cast %swap3A_511 : vector<1x1024x1xi32> to vector<1024x1xi32>
    %swap3A_513 = vector.shape_cast %add3A_507 : vector<1024x1xi32> to vector<1x1024x1xi32>
    tpu.vector_store %arg10[%swap3A_508, %swap3A_509, %swap3A_510], %swap3A_513 {strides = array<i32>} : memref<1x1024x12xi32, #tpu.memory_space<vmem>>, vector<1x1024x1xi32>,
    %mul3A_514 = arith.mulf %slice3A_467, %div3A_464 : vector<1024x1xf32>
    %div3A_515 = arith.divf %mul3A_514, %add3A_466 : vector<1024x1xf32>
    %swap3A_516 = arith.constant 0 : index
    %swap3A_517 = arith.constant 0 : index
    %swap3A_518 = arith.constant 5 : index
    %swap3A_519 = vector.load %arg11[%swap3A_516, %swap3A_517, %swap3A_518] : memref<1x1024x12xf32, #tpu.memory_space<vmem>>, vector<1x1024x1xf32>
    %swap3A_520 = vector.shape_cast %swap3A_519 : vector<1x1024x1xf32> to vector<1024x1xf32>
    %swap3A_521 = vector.shape_cast %div3A_515 : vector<1024x1xf32> to vector<1x1024x1xf32>
    tpu.vector_store %arg11[%swap3A_516, %swap3A_517, %swap3A_518], %swap3A_521 {strides = array<i32>} : memref<1x1024x12xf32, #tpu.memory_space<vmem>>, vector<1x1024x1xf32>,
    %slice3A_522 = vector.extract_strided_slice %div3A_230 {offsets = [0, 6], sizes = [1024, 3], strides = [1, 1]} : vector<1024x12xf32> to vector<1024x3xf32>
    %slice3A_523 = vector.extract_strided_slice %slice3A_522 {offsets = [0, 0], sizes = [1024, 1], strides = [1, 1]} : vector<1024x3xf32> to vector<1024x1xf32>
    %slice3A_524 = vector.extract_strided_slice %slice3A_522 {offsets = [0, 1], sizes = [1024, 1], strides = [1, 1]} : vector<1024x3xf32> to vector<1024x1xf32>
    %slice3A_525 = vector.extract_strided_slice %slice3A_522 {offsets = [0, 2], sizes = [1024, 1], strides = [1, 1]} : vector<1024x3xf32> to vector<1024x1xf32>
    %mul3A_526 = arith.mulf %slice3A_523, %slice3A_523 : vector<1024x1xf32>
    %mul3A_527 = arith.mulf %slice3A_524, %slice3A_524 : vector<1024x1xf32>
    %add3A_528 = arith.addf %mul3A_526, %mul3A_527 : vector<1024x1xf32>
    %mul3A_529 = arith.mulf %slice3A_525, %slice3A_525 : vector<1024x1xf32>
    %add3A_530 = arith.addf %add3A_528, %mul3A_529 : vector<1024x1xf32>
    %dot_general3A_531 = arith.constant dense<0.000000e+00> : vector<1024x1024xf32>
    %dot_general3A_532 = tpu.matmul %slice3A_522, %get3A_233, %dot_general3A_531 {dimension_numbers = #tpu.dot_dimension_numbers<[1], [0], [0], [1], [0, 0, 1, 1], [], []>, transpose_lhs_hint = false} : vector<1024x3xf32>, vector<3x1024xf32>, vector<1024x1024xf32> -> vector<1024x1024xf32>
    %add3A_533 = vector.broadcast %add3A_530 : vector<1024x1xf32> to vector<1024x1024xf32>
    %add3A_534 = vector.broadcast %add3A_239 : vector<1x1024xf32> to vector<1024x1024xf32>
    %add3A_535 = arith.addf %add3A_533, %add3A_534 : vector<1024x1024xf32>
    %mul3A_536 = arith.constant 2.000000e+00 : f32
    %mul3A_537 = vector.broadcast %mul3A_536 : f32 to vector<1024x1024xf32>
    %mul3A_538 = arith.mulf %mul3A_537, %dot_general3A_532 : vector<1024x1024xf32>
    %sub3A_539 = arith.subf %add3A_535, %mul3A_538 : vector<1024x1024xf32>
    %max3A_540 = arith.constant 9.99999996E-13 : f32
    %max3A_541 = vector.broadcast %max3A_540 : f32 to vector<1024x1024xf32>
    %max3A_542 = arith.maximumf %sub3A_539, %max3A_541 : vector<1024x1024xf32>
    %reduce_min3A_543 = arith.constant dense<0x7F800000> : vector<1024xf32>
    %reduce_min3A_544 = vector.multi_reduction <minimumf>, %max3A_542, %reduce_min3A_543 [1] : vector<1024x1024xf32> to vector<1024xf32>
    %broadcast_in_dim3A_545 = vector.shape_cast %reduce_min3A_544 : vector<1024xf32> to vector<1024x1xf32>
    %eq3A_546 = vector.broadcast %broadcast_in_dim3A_545 : vector<1024x1xf32> to vector<1024x1024xf32>
    %eq3A_547 = arith.cmpf oeq, %max3A_542, %eq3A_546 : vector<1024x1024xf32>
    %jit3A_548 = arith.constant 1024 : i32
    %broadcast_in_dim3A_549 = vector.broadcast %jit3A_548 : i32 to vector<1024x1024xi32>
    %select_n3A_550 = arith.select %eq3A_547, %iota3A_240, %broadcast_in_dim3A_549 : vector<1024x1024xi1>, vector<1024x1024xi32>
    %reduce_min3A_551 = arith.constant dense<2147483647> : vector<1024xi32>
    %reduce_min3A_552 = vector.multi_reduction <minsi>, %select_n3A_550, %reduce_min3A_551 [1] : vector<1024x1024xi32> to vector<1024xi32>
    %broadcast_in_dim3A_553 = vector.shape_cast %reduce_min3A_552 : vector<1024xi32> to vector<1024x1xi32>
    %eq3A_554 = vector.broadcast %broadcast_in_dim3A_553 : vector<1024x1xi32> to vector<1024x1024xi32>
    %eq3A_555 = arith.cmpi eq, %iota3A_240, %eq3A_554 : vector<1024x1024xi32>
    %jit3A_556 = arith.constant 3.400000e+38 : f32
    %broadcast_in_dim3A_557 = vector.broadcast %jit3A_556 : f32 to vector<1024x1024xf32>
    %select_n3A_558 = arith.select %eq3A_555, %broadcast_in_dim3A_557, %max3A_542 : vector<1024x1024xi1>, vector<1024x1024xf32>
    %reduce_min3A_559 = arith.constant dense<0x7F800000> : vector<1024xf32>
    %reduce_min3A_560 = vector.multi_reduction <minimumf>, %select_n3A_558, %reduce_min3A_559 [1] : vector<1024x1024xf32> to vector<1024xf32>
    %broadcast_in_dim3A_561 = vector.shape_cast %reduce_min3A_560 : vector<1024xf32> to vector<1024x1xf32>
    %eq3A_562 = vector.broadcast %broadcast_in_dim3A_561 : vector<1024x1xf32> to vector<1024x1024xf32>
    %eq3A_563 = arith.cmpf oeq, %select_n3A_558, %eq3A_562 : vector<1024x1024xf32>
    %jit3A_564 = arith.constant 1024 : i32
    %broadcast_in_dim3A_565 = vector.broadcast %jit3A_564 : i32 to vector<1024x1024xi32>
    %select_n3A_566 = arith.select %eq3A_563, %iota3A_240, %broadcast_in_dim3A_565 : vector<1024x1024xi1>, vector<1024x1024xi32>
    %reduce_min3A_567 = arith.constant dense<2147483647> : vector<1024xi32>
    %reduce_min3A_568 = vector.multi_reduction <minsi>, %select_n3A_566, %reduce_min3A_567 [1] : vector<1024x1024xi32> to vector<1024xi32>
    %broadcast_in_dim3A_569 = vector.shape_cast %reduce_min3A_568 : vector<1024xi32> to vector<1024x1xi32>
    %eq3A_570 = vector.broadcast %broadcast_in_dim3A_569 : vector<1024x1xi32> to vector<1024x1024xi32>
    %eq3A_571 = arith.cmpi eq, %iota3A_240, %eq3A_570 : vector<1024x1024xi32>
    %jit3A_572 = arith.constant 3.400000e+38 : f32
    %broadcast_in_dim3A_573 = vector.broadcast %jit3A_572 : f32 to vector<1024x1024xf32>
    %select_n3A_574 = arith.select %eq3A_571, %broadcast_in_dim3A_573, %select_n3A_558 : vector<1024x1024xi1>, vector<1024x1024xf32>
    %reduce_min3A_575 = arith.constant dense<0x7F800000> : vector<1024xf32>
    %reduce_min3A_576 = vector.multi_reduction <minimumf>, %select_n3A_574, %reduce_min3A_575 [1] : vector<1024x1024xf32> to vector<1024xf32>
    %broadcast_in_dim3A_577 = vector.shape_cast %reduce_min3A_576 : vector<1024xf32> to vector<1024x1xf32>
    %eq3A_578 = vector.broadcast %broadcast_in_dim3A_577 : vector<1024x1xf32> to vector<1024x1024xf32>
    %eq3A_579 = arith.cmpf oeq, %select_n3A_574, %eq3A_578 : vector<1024x1024xf32>
    %jit3A_580 = arith.constant 1024 : i32
    %broadcast_in_dim3A_581 = vector.broadcast %jit3A_580 : i32 to vector<1024x1024xi32>
    %select_n3A_582 = arith.select %eq3A_579, %iota3A_240, %broadcast_in_dim3A_581 : vector<1024x1024xi1>, vector<1024x1024xi32>
    %reduce_min3A_583 = arith.constant dense<2147483647> : vector<1024xi32>
    %reduce_min3A_584 = vector.multi_reduction <minsi>, %select_n3A_582, %reduce_min3A_583 [1] : vector<1024x1024xi32> to vector<1024xi32>
    %broadcast_in_dim3A_585 = vector.shape_cast %reduce_min3A_584 : vector<1024xi32> to vector<1024x1xi32>
    %sqrt3A_586 = math.sqrt %broadcast_in_dim3A_545 : vector<1024x1xf32>
    %add3A_587 = arith.constant 1.000000e-07 : f32
    %add3A_588 = vector.broadcast %add3A_587 : f32 to vector<1024x1xf32>
    %add3A_589 = arith.addf %sqrt3A_586, %add3A_588 : vector<1024x1xf32>
    %div3A_590 = arith.constant 1.000000e+00 : f32
    %div3A_591 = vector.broadcast %div3A_590 : f32 to vector<1024x1xf32>
    %div3A_592 = arith.divf %div3A_591, %add3A_589 : vector<1024x1xf32>
    %sqrt3A_593 = math.sqrt %broadcast_in_dim3A_561 : vector<1024x1xf32>
    %add3A_594 = arith.constant 1.000000e-07 : f32
    %add3A_595 = vector.broadcast %add3A_594 : f32 to vector<1024x1xf32>
    %add3A_596 = arith.addf %sqrt3A_593, %add3A_595 : vector<1024x1xf32>
    %div3A_597 = arith.constant 1.000000e+00 : f32
    %div3A_598 = vector.broadcast %div3A_597 : f32 to vector<1024x1xf32>
    %div3A_599 = arith.divf %div3A_598, %add3A_596 : vector<1024x1xf32>
    %sqrt3A_600 = math.sqrt %broadcast_in_dim3A_577 : vector<1024x1xf32>
    %add3A_601 = arith.constant 1.000000e-07 : f32
    %add3A_602 = vector.broadcast %add3A_601 : f32 to vector<1024x1xf32>
    %add3A_603 = arith.addf %sqrt3A_600, %add3A_602 : vector<1024x1xf32>
    %div3A_604 = arith.constant 1.000000e+00 : f32
    %div3A_605 = vector.broadcast %div3A_604 : f32 to vector<1024x1xf32>
    %div3A_606 = arith.divf %div3A_605, %add3A_603 : vector<1024x1xf32>
    %add3A_607 = arith.addf %div3A_592, %div3A_599 : vector<1024x1xf32>
    %add3A_608 = arith.addf %add3A_607, %div3A_606 : vector<1024x1xf32>
    %slice3A_609 = vector.extract_strided_slice %div3A_216 {offsets = [0, 2], sizes = [1024, 1], strides = [1, 1]} : vector<1024x4xf32> to vector<1024x1xf32>
    %mul3A_610 = arith.constant 1024 : i32
    %mul3A_611 = arith.muli %arg0, %mul3A_610 : i32
    %add3A_612 = vector.broadcast %mul3A_611 : i32 to vector<1024x1xi32>
    %add3A_613 = arith.addi %broadcast_in_dim3A_553, %add3A_612 : vector<1024x1xi32>
    %swap3A_614 = arith.constant 0 : index
    %swap3A_615 = arith.constant 0 : index
    %swap3A_616 = arith.constant 6 : index
    %swap3A_617 = vector.load %arg10[%swap3A_614, %swap3A_615, %swap3A_616] : memref<1x1024x12xi32, #tpu.memory_space<vmem>>, vector<1x1024x1xi32>
    %swap3A_618 = vector.shape_cast %swap3A_617 : vector<1x1024x1xi32> to vector<1024x1xi32>
    %swap3A_619 = vector.shape_cast %add3A_613 : vector<1024x1xi32> to vector<1x1024x1xi32>
    tpu.vector_store %arg10[%swap3A_614, %swap3A_615, %swap3A_616], %swap3A_619 {strides = array<i32>} : memref<1x1024x12xi32, #tpu.memory_space<vmem>>, vector<1x1024x1xi32>,
    %mul3A_620 = arith.mulf %slice3A_609, %div3A_592 : vector<1024x1xf32>
    %div3A_621 = arith.divf %mul3A_620, %add3A_608 : vector<1024x1xf32>
    %swap3A_622 = arith.constant 0 : index
    %swap3A_623 = arith.constant 0 : index
    %swap3A_624 = arith.constant 6 : index
    %swap3A_625 = vector.load %arg11[%swap3A_622, %swap3A_623, %swap3A_624] : memref<1x1024x12xf32, #tpu.memory_space<vmem>>, vector<1x1024x1xf32>
    %swap3A_626 = vector.shape_cast %swap3A_625 : vector<1x1024x1xf32> to vector<1024x1xf32>
    %swap3A_627 = vector.shape_cast %div3A_621 : vector<1024x1xf32> to vector<1x1024x1xf32>
    tpu.vector_store %arg11[%swap3A_622, %swap3A_623, %swap3A_624], %swap3A_627 {strides = array<i32>} : memref<1x1024x12xf32, #tpu.memory_space<vmem>>, vector<1x1024x1xf32>,
    %mul3A_628 = arith.constant 1024 : i32
    %mul3A_629 = arith.muli %arg0, %mul3A_628 : i32
    %add3A_630 = vector.broadcast %mul3A_629 : i32 to vector<1024x1xi32>
    %add3A_631 = arith.addi %broadcast_in_dim3A_569, %add3A_630 : vector<1024x1xi32>
    %swap3A_632 = arith.constant 0 : index
    %swap3A_633 = arith.constant 0 : index
    %swap3A_634 = arith.constant 7 : index
    %swap3A_635 = vector.load %arg10[%swap3A_632, %swap3A_633, %swap3A_634] : memref<1x1024x12xi32, #tpu.memory_space<vmem>>, vector<1x1024x1xi32>
    %swap3A_636 = vector.shape_cast %swap3A_635 : vector<1x1024x1xi32> to vector<1024x1xi32>
    %swap3A_637 = vector.shape_cast %add3A_631 : vector<1024x1xi32> to vector<1x1024x1xi32>
    tpu.vector_store %arg10[%swap3A_632, %swap3A_633, %swap3A_634], %swap3A_637 {strides = array<i32>} : memref<1x1024x12xi32, #tpu.memory_space<vmem>>, vector<1x1024x1xi32>,
    %mul3A_638 = arith.mulf %slice3A_609, %div3A_599 : vector<1024x1xf32>
    %div3A_639 = arith.divf %mul3A_638, %add3A_608 : vector<1024x1xf32>
    %swap3A_640 = arith.constant 0 : index
    %swap3A_641 = arith.constant 0 : index
    %swap3A_642 = arith.constant 7 : index
    %swap3A_643 = vector.load %arg11[%swap3A_640, %swap3A_641, %swap3A_642] : memref<1x1024x12xf32, #tpu.memory_space<vmem>>, vector<1x1024x1xf32>
    %swap3A_644 = vector.shape_cast %swap3A_643 : vector<1x1024x1xf32> to vector<1024x1xf32>
    %swap3A_645 = vector.shape_cast %div3A_639 : vector<1024x1xf32> to vector<1x1024x1xf32>
    tpu.vector_store %arg11[%swap3A_640, %swap3A_641, %swap3A_642], %swap3A_645 {strides = array<i32>} : memref<1x1024x12xf32, #tpu.memory_space<vmem>>, vector<1x1024x1xf32>,
    %mul3A_646 = arith.constant 1024 : i32
    %mul3A_647 = arith.muli %arg0, %mul3A_646 : i32
    %add3A_648 = vector.broadcast %mul3A_647 : i32 to vector<1024x1xi32>
    %add3A_649 = arith.addi %broadcast_in_dim3A_585, %add3A_648 : vector<1024x1xi32>
    %swap3A_650 = arith.constant 0 : index
    %swap3A_651 = arith.constant 0 : index
    %swap3A_652 = arith.constant 8 : index
    %swap3A_653 = vector.load %arg10[%swap3A_650, %swap3A_651, %swap3A_652] : memref<1x1024x12xi32, #tpu.memory_space<vmem>>, vector<1x1024x1xi32>
    %swap3A_654 = vector.shape_cast %swap3A_653 : vector<1x1024x1xi32> to vector<1024x1xi32>
    %swap3A_655 = vector.shape_cast %add3A_649 : vector<1024x1xi32> to vector<1x1024x1xi32>
    tpu.vector_store %arg10[%swap3A_650, %swap3A_651, %swap3A_652], %swap3A_655 {strides = array<i32>} : memref<1x1024x12xi32, #tpu.memory_space<vmem>>, vector<1x1024x1xi32>,
    %mul3A_656 = arith.mulf %slice3A_609, %div3A_606 : vector<1024x1xf32>
    %div3A_657 = arith.divf %mul3A_656, %add3A_608 : vector<1024x1xf32>
    %swap3A_658 = arith.constant 0 : index
    %swap3A_659 = arith.constant 0 : index
    %swap3A_660 = arith.constant 8 : index
    %swap3A_661 = vector.load %arg11[%swap3A_658, %swap3A_659, %swap3A_660] : memref<1x1024x12xf32, #tpu.memory_space<vmem>>, vector<1x1024x1xf32>
    %swap3A_662 = vector.shape_cast %swap3A_661 : vector<1x1024x1xf32> to vector<1024x1xf32>
    %swap3A_663 = vector.shape_cast %div3A_657 : vector<1024x1xf32> to vector<1x1024x1xf32>
    tpu.vector_store %arg11[%swap3A_658, %swap3A_659, %swap3A_660], %swap3A_663 {strides = array<i32>} : memref<1x1024x12xf32, #tpu.memory_space<vmem>>, vector<1x1024x1xf32>,
    %slice3A_664 = vector.extract_strided_slice %div3A_230 {offsets = [0, 9], sizes = [1024, 3], strides = [1, 1]} : vector<1024x12xf32> to vector<1024x3xf32>
    %slice3A_665 = vector.extract_strided_slice %slice3A_664 {offsets = [0, 0], sizes = [1024, 1], strides = [1, 1]} : vector<1024x3xf32> to vector<1024x1xf32>
    %slice3A_666 = vector.extract_strided_slice %slice3A_664 {offsets = [0, 1], sizes = [1024, 1], strides = [1, 1]} : vector<1024x3xf32> to vector<1024x1xf32>
    %slice3A_667 = vector.extract_strided_slice %slice3A_664 {offsets = [0, 2], sizes = [1024, 1], strides = [1, 1]} : vector<1024x3xf32> to vector<1024x1xf32>
    %mul3A_668 = arith.mulf %slice3A_665, %slice3A_665 : vector<1024x1xf32>
    %mul3A_669 = arith.mulf %slice3A_666, %slice3A_666 : vector<1024x1xf32>
    %add3A_670 = arith.addf %mul3A_668, %mul3A_669 : vector<1024x1xf32>
    %mul3A_671 = arith.mulf %slice3A_667, %slice3A_667 : vector<1024x1xf32>
    %add3A_672 = arith.addf %add3A_670, %mul3A_671 : vector<1024x1xf32>
    %dot_general3A_673 = arith.constant dense<0.000000e+00> : vector<1024x1024xf32>
    %dot_general3A_674 = tpu.matmul %slice3A_664, %get3A_233, %dot_general3A_673 {dimension_numbers = #tpu.dot_dimension_numbers<[1], [0], [0], [1], [0, 0, 1, 1], [], []>, transpose_lhs_hint = false} : vector<1024x3xf32>, vector<3x1024xf32>, vector<1024x1024xf32> -> vector<1024x1024xf32>
    %add3A_675 = vector.broadcast %add3A_672 : vector<1024x1xf32> to vector<1024x1024xf32>
    %add3A_676 = vector.broadcast %add3A_239 : vector<1x1024xf32> to vector<1024x1024xf32>
    %add3A_677 = arith.addf %add3A_675, %add3A_676 : vector<1024x1024xf32>
    %mul3A_678 = arith.constant 2.000000e+00 : f32
    %mul3A_679 = vector.broadcast %mul3A_678 : f32 to vector<1024x1024xf32>
    %mul3A_680 = arith.mulf %mul3A_679, %dot_general3A_674 : vector<1024x1024xf32>
    %sub3A_681 = arith.subf %add3A_677, %mul3A_680 : vector<1024x1024xf32>
    %max3A_682 = arith.constant 9.99999996E-13 : f32
    %max3A_683 = vector.broadcast %max3A_682 : f32 to vector<1024x1024xf32>
    %max3A_684 = arith.maximumf %sub3A_681, %max3A_683 : vector<1024x1024xf32>
    %reduce_min3A_685 = arith.constant dense<0x7F800000> : vector<1024xf32>
    %reduce_min3A_686 = vector.multi_reduction <minimumf>, %max3A_684, %reduce_min3A_685 [1] : vector<1024x1024xf32> to vector<1024xf32>
    %broadcast_in_dim3A_687 = vector.shape_cast %reduce_min3A_686 : vector<1024xf32> to vector<1024x1xf32>
    %eq3A_688 = vector.broadcast %broadcast_in_dim3A_687 : vector<1024x1xf32> to vector<1024x1024xf32>
    %eq3A_689 = arith.cmpf oeq, %max3A_684, %eq3A_688 : vector<1024x1024xf32>
    %jit3A_690 = arith.constant 1024 : i32
    %broadcast_in_dim3A_691 = vector.broadcast %jit3A_690 : i32 to vector<1024x1024xi32>
    %select_n3A_692 = arith.select %eq3A_689, %iota3A_240, %broadcast_in_dim3A_691 : vector<1024x1024xi1>, vector<1024x1024xi32>
    %reduce_min3A_693 = arith.constant dense<2147483647> : vector<1024xi32>
    %reduce_min3A_694 = vector.multi_reduction <minsi>, %select_n3A_692, %reduce_min3A_693 [1] : vector<1024x1024xi32> to vector<1024xi32>
    %broadcast_in_dim3A_695 = vector.shape_cast %reduce_min3A_694 : vector<1024xi32> to vector<1024x1xi32>
    %eq3A_696 = vector.broadcast %broadcast_in_dim3A_695 : vector<1024x1xi32> to vector<1024x1024xi32>
    %eq3A_697 = arith.cmpi eq, %iota3A_240, %eq3A_696 : vector<1024x1024xi32>
    %jit3A_698 = arith.constant 3.400000e+38 : f32
    %broadcast_in_dim3A_699 = vector.broadcast %jit3A_698 : f32 to vector<1024x1024xf32>
    %select_n3A_700 = arith.select %eq3A_697, %broadcast_in_dim3A_699, %max3A_684 : vector<1024x1024xi1>, vector<1024x1024xf32>
    %reduce_min3A_701 = arith.constant dense<0x7F800000> : vector<1024xf32>
    %reduce_min3A_702 = vector.multi_reduction <minimumf>, %select_n3A_700, %reduce_min3A_701 [1] : vector<1024x1024xf32> to vector<1024xf32>
    %broadcast_in_dim3A_703 = vector.shape_cast %reduce_min3A_702 : vector<1024xf32> to vector<1024x1xf32>
    %eq3A_704 = vector.broadcast %broadcast_in_dim3A_703 : vector<1024x1xf32> to vector<1024x1024xf32>
    %eq3A_705 = arith.cmpf oeq, %select_n3A_700, %eq3A_704 : vector<1024x1024xf32>
    %jit3A_706 = arith.constant 1024 : i32
    %broadcast_in_dim3A_707 = vector.broadcast %jit3A_706 : i32 to vector<1024x1024xi32>
    %select_n3A_708 = arith.select %eq3A_705, %iota3A_240, %broadcast_in_dim3A_707 : vector<1024x1024xi1>, vector<1024x1024xi32>
    %reduce_min3A_709 = arith.constant dense<2147483647> : vector<1024xi32>
    %reduce_min3A_710 = vector.multi_reduction <minsi>, %select_n3A_708, %reduce_min3A_709 [1] : vector<1024x1024xi32> to vector<1024xi32>
    %broadcast_in_dim3A_711 = vector.shape_cast %reduce_min3A_710 : vector<1024xi32> to vector<1024x1xi32>
    %eq3A_712 = vector.broadcast %broadcast_in_dim3A_711 : vector<1024x1xi32> to vector<1024x1024xi32>
    %eq3A_713 = arith.cmpi eq, %iota3A_240, %eq3A_712 : vector<1024x1024xi32>
    %jit3A_714 = arith.constant 3.400000e+38 : f32
    %broadcast_in_dim3A_715 = vector.broadcast %jit3A_714 : f32 to vector<1024x1024xf32>
    %select_n3A_716 = arith.select %eq3A_713, %broadcast_in_dim3A_715, %select_n3A_700 : vector<1024x1024xi1>, vector<1024x1024xf32>
    %reduce_min3A_717 = arith.constant dense<0x7F800000> : vector<1024xf32>
    %reduce_min3A_718 = vector.multi_reduction <minimumf>, %select_n3A_716, %reduce_min3A_717 [1] : vector<1024x1024xf32> to vector<1024xf32>
    %broadcast_in_dim3A_719 = vector.shape_cast %reduce_min3A_718 : vector<1024xf32> to vector<1024x1xf32>
    %eq3A_720 = vector.broadcast %broadcast_in_dim3A_719 : vector<1024x1xf32> to vector<1024x1024xf32>
    %eq3A_721 = arith.cmpf oeq, %select_n3A_716, %eq3A_720 : vector<1024x1024xf32>
    %jit3A_722 = arith.constant 1024 : i32
    %broadcast_in_dim3A_723 = vector.broadcast %jit3A_722 : i32 to vector<1024x1024xi32>
    %select_n3A_724 = arith.select %eq3A_721, %iota3A_240, %broadcast_in_dim3A_723 : vector<1024x1024xi1>, vector<1024x1024xi32>
    %reduce_min3A_725 = arith.constant dense<2147483647> : vector<1024xi32>
    %reduce_min3A_726 = vector.multi_reduction <minsi>, %select_n3A_724, %reduce_min3A_725 [1] : vector<1024x1024xi32> to vector<1024xi32>
    %broadcast_in_dim3A_727 = vector.shape_cast %reduce_min3A_726 : vector<1024xi32> to vector<1024x1xi32>
    %sqrt3A_728 = math.sqrt %broadcast_in_dim3A_687 : vector<1024x1xf32>
    %add3A_729 = arith.constant 1.000000e-07 : f32
    %add3A_730 = vector.broadcast %add3A_729 : f32 to vector<1024x1xf32>
    %add3A_731 = arith.addf %sqrt3A_728, %add3A_730 : vector<1024x1xf32>
    %div3A_732 = arith.constant 1.000000e+00 : f32
    %div3A_733 = vector.broadcast %div3A_732 : f32 to vector<1024x1xf32>
    %div3A_734 = arith.divf %div3A_733, %add3A_731 : vector<1024x1xf32>
    %sqrt3A_735 = math.sqrt %broadcast_in_dim3A_703 : vector<1024x1xf32>
    %add3A_736 = arith.constant 1.000000e-07 : f32
    %add3A_737 = vector.broadcast %add3A_736 : f32 to vector<1024x1xf32>
    %add3A_738 = arith.addf %sqrt3A_735, %add3A_737 : vector<1024x1xf32>
    %div3A_739 = arith.constant 1.000000e+00 : f32
    %div3A_740 = vector.broadcast %div3A_739 : f32 to vector<1024x1xf32>
    %div3A_741 = arith.divf %div3A_740, %add3A_738 : vector<1024x1xf32>
    %sqrt3A_742 = math.sqrt %broadcast_in_dim3A_719 : vector<1024x1xf32>
    %add3A_743 = arith.constant 1.000000e-07 : f32
    %add3A_744 = vector.broadcast %add3A_743 : f32 to vector<1024x1xf32>
    %add3A_745 = arith.addf %sqrt3A_742, %add3A_744 : vector<1024x1xf32>
    %div3A_746 = arith.constant 1.000000e+00 : f32
    %div3A_747 = vector.broadcast %div3A_746 : f32 to vector<1024x1xf32>
    %div3A_748 = arith.divf %div3A_747, %add3A_745 : vector<1024x1xf32>
    %add3A_749 = arith.addf %div3A_734, %div3A_741 : vector<1024x1xf32>
    %add3A_750 = arith.addf %add3A_749, %div3A_748 : vector<1024x1xf32>
    %slice3A_751 = vector.extract_strided_slice %div3A_216 {offsets = [0, 3], sizes = [1024, 1], strides = [1, 1]} : vector<1024x4xf32> to vector<1024x1xf32>
    %mul3A_752 = arith.constant 1024 : i32
    %mul3A_753 = arith.muli %arg0, %mul3A_752 : i32
    %add3A_754 = vector.broadcast %mul3A_753 : i32 to vector<1024x1xi32>
    %add3A_755 = arith.addi %broadcast_in_dim3A_695, %add3A_754 : vector<1024x1xi32>
    %swap3A_756 = arith.constant 0 : index
    %swap3A_757 = arith.constant 0 : index
    %swap3A_758 = arith.constant 9 : index
    %swap3A_759 = vector.load %arg10[%swap3A_756, %swap3A_757, %swap3A_758] : memref<1x1024x12xi32, #tpu.memory_space<vmem>>, vector<1x1024x1xi32>
    %swap3A_760 = vector.shape_cast %swap3A_759 : vector<1x1024x1xi32> to vector<1024x1xi32>
    %swap3A_761 = vector.shape_cast %add3A_755 : vector<1024x1xi32> to vector<1x1024x1xi32>
    tpu.vector_store %arg10[%swap3A_756, %swap3A_757, %swap3A_758], %swap3A_761 {strides = array<i32>} : memref<1x1024x12xi32, #tpu.memory_space<vmem>>, vector<1x1024x1xi32>,
    %mul3A_762 = arith.mulf %slice3A_751, %div3A_734 : vector<1024x1xf32>
    %div3A_763 = arith.divf %mul3A_762, %add3A_750 : vector<1024x1xf32>
    %swap3A_764 = arith.constant 0 : index
    %swap3A_765 = arith.constant 0 : index
    %swap3A_766 = arith.constant 9 : index
    %swap3A_767 = vector.load %arg11[%swap3A_764, %swap3A_765, %swap3A_766] : memref<1x1024x12xf32, #tpu.memory_space<vmem>>, vector<1x1024x1xf32>
    %swap3A_768 = vector.shape_cast %swap3A_767 : vector<1x1024x1xf32> to vector<1024x1xf32>
    %swap3A_769 = vector.shape_cast %div3A_763 : vector<1024x1xf32> to vector<1x1024x1xf32>
    tpu.vector_store %arg11[%swap3A_764, %swap3A_765, %swap3A_766], %swap3A_769 {strides = array<i32>} : memref<1x1024x12xf32, #tpu.memory_space<vmem>>, vector<1x1024x1xf32>,
    %mul3A_770 = arith.constant 1024 : i32
    %mul3A_771 = arith.muli %arg0, %mul3A_770 : i32
    %add3A_772 = vector.broadcast %mul3A_771 : i32 to vector<1024x1xi32>
    %add3A_773 = arith.addi %broadcast_in_dim3A_711, %add3A_772 : vector<1024x1xi32>
    %swap3A_774 = arith.constant 0 : index
    %swap3A_775 = arith.constant 0 : index
    %swap3A_776 = arith.constant 10 : index
    %swap3A_777 = vector.load %arg10[%swap3A_774, %swap3A_775, %swap3A_776] : memref<1x1024x12xi32, #tpu.memory_space<vmem>>, vector<1x1024x1xi32>
    %swap3A_778 = vector.shape_cast %swap3A_777 : vector<1x1024x1xi32> to vector<1024x1xi32>
    %swap3A_779 = vector.shape_cast %add3A_773 : vector<1024x1xi32> to vector<1x1024x1xi32>
    tpu.vector_store %arg10[%swap3A_774, %swap3A_775, %swap3A_776], %swap3A_779 {strides = array<i32>} : memref<1x1024x12xi32, #tpu.memory_space<vmem>>, vector<1x1024x1xi32>,
    %mul3A_780 = arith.mulf %slice3A_751, %div3A_741 : vector<1024x1xf32>
    %div3A_781 = arith.divf %mul3A_780, %add3A_750 : vector<1024x1xf32>
    %swap3A_782 = arith.constant 0 : index
    %swap3A_783 = arith.constant 0 : index
    %swap3A_784 = arith.constant 10 : index
    %swap3A_785 = vector.load %arg11[%swap3A_782, %swap3A_783, %swap3A_784] : memref<1x1024x12xf32, #tpu.memory_space<vmem>>, vector<1x1024x1xf32>
    %swap3A_786 = vector.shape_cast %swap3A_785 : vector<1x1024x1xf32> to vector<1024x1xf32>
    %swap3A_787 = vector.shape_cast %div3A_781 : vector<1024x1xf32> to vector<1x1024x1xf32>
    tpu.vector_store %arg11[%swap3A_782, %swap3A_783, %swap3A_784], %swap3A_787 {strides = array<i32>} : memref<1x1024x12xf32, #tpu.memory_space<vmem>>, vector<1x1024x1xf32>,
    %mul3A_788 = arith.constant 1024 : i32
    %mul3A_789 = arith.muli %arg0, %mul3A_788 : i32
    %add3A_790 = vector.broadcast %mul3A_789 : i32 to vector<1024x1xi32>
    %add3A_791 = arith.addi %broadcast_in_dim3A_727, %add3A_790 : vector<1024x1xi32>
    %swap3A_792 = arith.constant 0 : index
    %swap3A_793 = arith.constant 0 : index
    %swap3A_794 = arith.constant 11 : index
    %swap3A_795 = vector.load %arg10[%swap3A_792, %swap3A_793, %swap3A_794] : memref<1x1024x12xi32, #tpu.memory_space<vmem>>, vector<1x1024x1xi32>
    %swap3A_796 = vector.shape_cast %swap3A_795 : vector<1x1024x1xi32> to vector<1024x1xi32>
    %swap3A_797 = vector.shape_cast %add3A_791 : vector<1024x1xi32> to vector<1x1024x1xi32>
    tpu.vector_store %arg10[%swap3A_792, %swap3A_793, %swap3A_794], %swap3A_797 {strides = array<i32>} : memref<1x1024x12xi32, #tpu.memory_space<vmem>>, vector<1x1024x1xi32>,
    %mul3A_798 = arith.mulf %slice3A_751, %div3A_748 : vector<1024x1xf32>
    %div3A_799 = arith.divf %mul3A_798, %add3A_750 : vector<1024x1xf32>
    %swap3A_800 = arith.constant 0 : index
    %swap3A_801 = arith.constant 0 : index
    %swap3A_802 = arith.constant 11 : index
    %swap3A_803 = vector.load %arg11[%swap3A_800, %swap3A_801, %swap3A_802] : memref<1x1024x12xf32, #tpu.memory_space<vmem>>, vector<1x1024x1xf32>
    %swap3A_804 = vector.shape_cast %swap3A_803 : vector<1x1024x1xf32> to vector<1024x1xf32>
    %swap3A_805 = vector.shape_cast %div3A_799 : vector<1024x1xf32> to vector<1x1024x1xf32>
    tpu.vector_store %arg11[%swap3A_800, %swap3A_801, %swap3A_802], %swap3A_805 {strides = array<i32>} : memref<1x1024x12xf32, #tpu.memory_space<vmem>>, vector<1x1024x1xf32>,
    return
  }
  func.func @transform_0(%arg0: i32) -> (i32, i32, i32) {
    %c0_i32 = arith.constant 0 : i32
    %c0_i32_0 = arith.constant 0 : i32
    %c0_i32_1 = arith.constant 0 : i32
    return %arg0, %c0_i32, %c0_i32_0 : i32, i32, i32
  }
  func.func @transform_1(%arg0: i32) -> (i32, i32) {
    %c0_i32 = arith.constant 0 : i32
    %c0_i32_0 = arith.constant 0 : i32
    %c0_i32_1 = arith.constant 0 : i32
    return %c0_i32, %c0_i32_0 : i32, i32
  }
  func.func @transform_2(%arg0: i32) -> (i32, i32) {
    %c0_i32 = arith.constant 0 : i32
    %c0_i32_0 = arith.constant 0 : i32
    %c0_i32_1 = arith.constant 0 : i32
    return %c0_i32, %c0_i32_0 : i32, i32
  }
  func.func @transform_3(%arg0: i32) -> (i32, i32) {
    %c0_i32 = arith.constant 0 : i32
    %c0_i32_0 = arith.constant 0 : i32
    %c0_i32_1 = arith.constant 0 : i32
    return %c0_i32, %c0_i32_0 : i32, i32
  }
  func.func @transform_4(%arg0: i32) -> (i32, i32) {
    %c0_i32 = arith.constant 0 : i32
    %c0_i32_0 = arith.constant 0 : i32
    %c0_i32_1 = arith.constant 0 : i32
    return %c0_i32, %c0_i32_0 : i32, i32
  }
  func.func @transform_5(%arg0: i32) -> (i32, i32) {
    %c0_i32 = arith.constant 0 : i32
    %c0_i32_0 = arith.constant 0 : i32
    %c0_i32_1 = arith.constant 0 : i32
    return %c0_i32, %c0_i32_0 : i32, i32
  }
  func.func @transform_6(%arg0: i32) -> (i32, i32) {
    %c0_i32 = arith.constant 0 : i32
    %c0_i32_0 = arith.constant 0 : i32
    %c0_i32_1 = arith.constant 0 : i32
    return %c0_i32, %c0_i32_0 : i32, i32
  }
  func.func @transform_7(%arg0: i32) -> (i32, i32) {
    %c0_i32 = arith.constant 0 : i32
    %c0_i32_0 = arith.constant 0 : i32
    %c0_i32_1 = arith.constant 0 : i32
    return %c0_i32, %c0_i32_0 : i32, i32
  }
  func.func @transform_8(%arg0: i32) -> (i32, i32, i32) {
    %c0_i32 = arith.constant 0 : i32
    %c0_i32_0 = arith.constant 0 : i32
    %c0_i32_1 = arith.constant 0 : i32
    return %arg0, %c0_i32, %c0_i32_0 : i32, i32, i32
  }
  func.func @transform_9(%arg0: i32) -> (i32, i32, i32) {
    %c0_i32 = arith.constant 0 : i32
    %c0_i32_0 = arith.constant 0 : i32
    %c0_i32_1 = arith.constant 0 : i32
    return %arg0, %c0_i32, %c0_i32_0 : i32, i32, i32
  }
  func.func @transform_10(%arg0: i32) -> (i32, i32, i32) {
    %c0_i32 = arith.constant 0 : i32
    %c0_i32_0 = arith.constant 0 : i32
    %c0_i32_1 = arith.constant 0 : i32
    return %arg0, %c0_i32, %c0_i32_0 : i32, i32, i32
  }
}

module attributes {stable_mosaic.version = 14 : i64} {
  func.func @_reduce_kernel(%arg0: i32, %arg1: memref<1x1024x1536xf32, #tpu.memory_space<vmem>>, %arg2: memref<1x1024x12xf32, #tpu.memory_space<vmem>>, %arg3: memref<512x512xf32, #tpu.memory_space<vmem>>, %arg4: memref<1x512xf32, #tpu.memory_space<vmem>>, %arg5: memref<1024x512xf32, #tpu.memory_space<vmem>>) attributes {dimension_semantics = [#tpu.dimension_semantics<arbitrary>], iteration_bounds = array<i64: 8>, scalar_prefetch = 0 : i64, scratch_operands = 0 : i64, tpu.core_type = #tpu.core_type<tc>, window_params = [{transform_indices = @transform_0, window_bounds = array<i64: 1, 1024, 1536>}, {transform_indices = @transform_1, window_bounds = array<i64: 1, 1024, 12>}, {pipeline_mode = #tpu.pipeline_mode<synchronous>, transform_indices = @transform_2, window_bounds = array<i64: 512, 512>}, {pipeline_mode = #tpu.pipeline_mode<synchronous>, transform_indices = @transform_3, window_bounds = array<i64: 1, 512>}, {pipeline_mode = #tpu.pipeline_mode<synchronous>, transform_indices = @transform_4, window_bounds = array<i64: 1024, 512>}]} {
    %eq3A = arith.constant 0 : i32
    %eq3A_0 = arith.cmpi eq, %arg0, %eq3A : i32
    %convert_element_type3A = arith.extui %eq3A_0 : i1 to i32
    %cond3A = arith.constant 0 : i32
    %cond3A_1 = arith.cmpi ne, %convert_element_type3A, %cond3A : i32
    scf.if %cond3A_1 {
      %broadcast_in_dim3A_81 = arith.constant 0.000000e+00 : f32
      %broadcast_in_dim3A_82 = vector.broadcast %broadcast_in_dim3A_81 : f32 to vector<1024x512xf32>
      %get3A_83 = arith.constant 0 : index
      %get3A_84 = arith.constant 0 : index
      %get3A_85 = vector.load %arg4[%get3A_83, %get3A_84] : memref<1x512xf32, #tpu.memory_space<vmem>>, vector<1x512xf32>
      %add3A_86 = vector.broadcast %get3A_85 : vector<1x512xf32> to vector<1024x512xf32>
      %add3A_87 = arith.addf %broadcast_in_dim3A_82, %add3A_86 : vector<1024x512xf32>
      %swap3A_88 = arith.constant 0 : index
      %swap3A_89 = arith.constant 0 : index
      %swap3A_90 = vector.load %arg5[%swap3A_88, %swap3A_89] : memref<1024x512xf32, #tpu.memory_space<vmem>>, vector<1024x512xf32>
      tpu.vector_store %arg5[%swap3A_88, %swap3A_89], %add3A_87 {strides = array<i32>} : memref<1024x512xf32, #tpu.memory_space<vmem>>, vector<1024x512xf32>,
    } else {
    }
    %get3A = arith.constant 0 : index
    %get3A_2 = arith.constant 0 : index
    %get3A_3 = arith.constant 0 : index
    %get3A_4 = vector.load %arg1[%get3A, %get3A_2, %get3A_3] : memref<1x1024x1536xf32, #tpu.memory_space<vmem>>, vector<1x1024x1536xf32>
    %get3A_5 = vector.shape_cast %get3A_4 : vector<1x1024x1536xf32> to vector<1024x1536xf32>
    %get3A_6 = arith.constant 0 : index
    %get3A_7 = arith.constant 0 : index
    %get3A_8 = arith.constant 0 : index
    %get3A_9 = vector.load %arg2[%get3A_6, %get3A_7, %get3A_8] : memref<1x1024x12xf32, #tpu.memory_space<vmem>>, vector<1x1024x12xf32>
    %get3A_10 = vector.shape_cast %get3A_9 : vector<1x1024x12xf32> to vector<1024x12xf32>
    %broadcast_in_dim3A = arith.constant 0.000000e+00 : f32
    %broadcast_in_dim3A_11 = vector.broadcast %broadcast_in_dim3A : f32 to vector<1024x64xf32>
    %slice3A = vector.extract_strided_slice %get3A_10 {offsets = [0, 0], sizes = [1024, 1], strides = [1, 1]} : vector<1024x12xf32> to vector<1024x1xf32>
    %slice3A_12 = vector.extract_strided_slice %get3A_5 {offsets = [0, 0], sizes = [1024, 64], strides = [1, 1]} : vector<1024x1536xf32> to vector<1024x64xf32>
    %mul3A = vector.broadcast %slice3A : vector<1024x1xf32> to vector<1024x64xf32>
    %mul3A_13 = arith.mulf %mul3A, %slice3A_12 : vector<1024x64xf32>
    %add3A = arith.addf %broadcast_in_dim3A_11, %mul3A_13 : vector<1024x64xf32>
    %slice3A_14 = vector.extract_strided_slice %get3A_10 {offsets = [0, 1], sizes = [1024, 1], strides = [1, 1]} : vector<1024x12xf32> to vector<1024x1xf32>
    %slice3A_15 = vector.extract_strided_slice %get3A_5 {offsets = [0, 128], sizes = [1024, 64], strides = [1, 1]} : vector<1024x1536xf32> to vector<1024x64xf32>
    %mul3A_16 = vector.broadcast %slice3A_14 : vector<1024x1xf32> to vector<1024x64xf32>
    %mul3A_17 = arith.mulf %mul3A_16, %slice3A_15 : vector<1024x64xf32>
    %add3A_18 = arith.addf %add3A, %mul3A_17 : vector<1024x64xf32>
    %slice3A_19 = vector.extract_strided_slice %get3A_10 {offsets = [0, 2], sizes = [1024, 1], strides = [1, 1]} : vector<1024x12xf32> to vector<1024x1xf32>
    %slice3A_20 = vector.extract_strided_slice %get3A_5 {offsets = [0, 256], sizes = [1024, 64], strides = [1, 1]} : vector<1024x1536xf32> to vector<1024x64xf32>
    %mul3A_21 = vector.broadcast %slice3A_19 : vector<1024x1xf32> to vector<1024x64xf32>
    %mul3A_22 = arith.mulf %mul3A_21, %slice3A_20 : vector<1024x64xf32>
    %add3A_23 = arith.addf %add3A_18, %mul3A_22 : vector<1024x64xf32>
    %slice3A_24 = vector.extract_strided_slice %get3A_10 {offsets = [0, 3], sizes = [1024, 1], strides = [1, 1]} : vector<1024x12xf32> to vector<1024x1xf32>
    %slice3A_25 = vector.extract_strided_slice %get3A_5 {offsets = [0, 384], sizes = [1024, 64], strides = [1, 1]} : vector<1024x1536xf32> to vector<1024x64xf32>
    %mul3A_26 = vector.broadcast %slice3A_24 : vector<1024x1xf32> to vector<1024x64xf32>
    %mul3A_27 = arith.mulf %mul3A_26, %slice3A_25 : vector<1024x64xf32>
    %add3A_28 = arith.addf %add3A_23, %mul3A_27 : vector<1024x64xf32>
    %slice3A_29 = vector.extract_strided_slice %get3A_10 {offsets = [0, 4], sizes = [1024, 1], strides = [1, 1]} : vector<1024x12xf32> to vector<1024x1xf32>
    %slice3A_30 = vector.extract_strided_slice %get3A_5 {offsets = [0, 512], sizes = [1024, 64], strides = [1, 1]} : vector<1024x1536xf32> to vector<1024x64xf32>
    %mul3A_31 = vector.broadcast %slice3A_29 : vector<1024x1xf32> to vector<1024x64xf32>
    %mul3A_32 = arith.mulf %mul3A_31, %slice3A_30 : vector<1024x64xf32>
    %add3A_33 = arith.addf %add3A_28, %mul3A_32 : vector<1024x64xf32>
    %slice3A_34 = vector.extract_strided_slice %get3A_10 {offsets = [0, 5], sizes = [1024, 1], strides = [1, 1]} : vector<1024x12xf32> to vector<1024x1xf32>
    %slice3A_35 = vector.extract_strided_slice %get3A_5 {offsets = [0, 640], sizes = [1024, 64], strides = [1, 1]} : vector<1024x1536xf32> to vector<1024x64xf32>
    %mul3A_36 = vector.broadcast %slice3A_34 : vector<1024x1xf32> to vector<1024x64xf32>
    %mul3A_37 = arith.mulf %mul3A_36, %slice3A_35 : vector<1024x64xf32>
    %add3A_38 = arith.addf %add3A_33, %mul3A_37 : vector<1024x64xf32>
    %slice3A_39 = vector.extract_strided_slice %get3A_10 {offsets = [0, 6], sizes = [1024, 1], strides = [1, 1]} : vector<1024x12xf32> to vector<1024x1xf32>
    %slice3A_40 = vector.extract_strided_slice %get3A_5 {offsets = [0, 768], sizes = [1024, 64], strides = [1, 1]} : vector<1024x1536xf32> to vector<1024x64xf32>
    %mul3A_41 = vector.broadcast %slice3A_39 : vector<1024x1xf32> to vector<1024x64xf32>
    %mul3A_42 = arith.mulf %mul3A_41, %slice3A_40 : vector<1024x64xf32>
    %add3A_43 = arith.addf %add3A_38, %mul3A_42 : vector<1024x64xf32>
    %slice3A_44 = vector.extract_strided_slice %get3A_10 {offsets = [0, 7], sizes = [1024, 1], strides = [1, 1]} : vector<1024x12xf32> to vector<1024x1xf32>
    %slice3A_45 = vector.extract_strided_slice %get3A_5 {offsets = [0, 896], sizes = [1024, 64], strides = [1, 1]} : vector<1024x1536xf32> to vector<1024x64xf32>
    %mul3A_46 = vector.broadcast %slice3A_44 : vector<1024x1xf32> to vector<1024x64xf32>
    %mul3A_47 = arith.mulf %mul3A_46, %slice3A_45 : vector<1024x64xf32>
    %add3A_48 = arith.addf %add3A_43, %mul3A_47 : vector<1024x64xf32>
    %slice3A_49 = vector.extract_strided_slice %get3A_10 {offsets = [0, 8], sizes = [1024, 1], strides = [1, 1]} : vector<1024x12xf32> to vector<1024x1xf32>
    %slice3A_50 = vector.extract_strided_slice %get3A_5 {offsets = [0, 1024], sizes = [1024, 64], strides = [1, 1]} : vector<1024x1536xf32> to vector<1024x64xf32>
    %mul3A_51 = vector.broadcast %slice3A_49 : vector<1024x1xf32> to vector<1024x64xf32>
    %mul3A_52 = arith.mulf %mul3A_51, %slice3A_50 : vector<1024x64xf32>
    %add3A_53 = arith.addf %add3A_48, %mul3A_52 : vector<1024x64xf32>
    %slice3A_54 = vector.extract_strided_slice %get3A_10 {offsets = [0, 9], sizes = [1024, 1], strides = [1, 1]} : vector<1024x12xf32> to vector<1024x1xf32>
    %slice3A_55 = vector.extract_strided_slice %get3A_5 {offsets = [0, 1152], sizes = [1024, 64], strides = [1, 1]} : vector<1024x1536xf32> to vector<1024x64xf32>
    %mul3A_56 = vector.broadcast %slice3A_54 : vector<1024x1xf32> to vector<1024x64xf32>
    %mul3A_57 = arith.mulf %mul3A_56, %slice3A_55 : vector<1024x64xf32>
    %add3A_58 = arith.addf %add3A_53, %mul3A_57 : vector<1024x64xf32>
    %slice3A_59 = vector.extract_strided_slice %get3A_10 {offsets = [0, 10], sizes = [1024, 1], strides = [1, 1]} : vector<1024x12xf32> to vector<1024x1xf32>
    %slice3A_60 = vector.extract_strided_slice %get3A_5 {offsets = [0, 1280], sizes = [1024, 64], strides = [1, 1]} : vector<1024x1536xf32> to vector<1024x64xf32>
    %mul3A_61 = vector.broadcast %slice3A_59 : vector<1024x1xf32> to vector<1024x64xf32>
    %mul3A_62 = arith.mulf %mul3A_61, %slice3A_60 : vector<1024x64xf32>
    %add3A_63 = arith.addf %add3A_58, %mul3A_62 : vector<1024x64xf32>
    %slice3A_64 = vector.extract_strided_slice %get3A_10 {offsets = [0, 11], sizes = [1024, 1], strides = [1, 1]} : vector<1024x12xf32> to vector<1024x1xf32>
    %slice3A_65 = vector.extract_strided_slice %get3A_5 {offsets = [0, 1408], sizes = [1024, 64], strides = [1, 1]} : vector<1024x1536xf32> to vector<1024x64xf32>
    %mul3A_66 = vector.broadcast %slice3A_64 : vector<1024x1xf32> to vector<1024x64xf32>
    %mul3A_67 = arith.mulf %mul3A_66, %slice3A_65 : vector<1024x64xf32>
    %add3A_68 = arith.addf %add3A_63, %mul3A_67 : vector<1024x64xf32>
    %mul3A_69 = arith.constant 64 : i32
    %mul3A_70 = arith.muli %arg0, %mul3A_69 : i32
    %get3A_71 = arith.index_cast %mul3A_70 : i32 to index
    %get3A_72 = arith.constant 0 : index
    %get3A_73 = vector.load %arg3[%get3A_71, %get3A_72] : memref<512x512xf32, #tpu.memory_space<vmem>>, vector<64x512xf32>
    %get3A_74 = arith.constant 0 : index
    %get3A_75 = arith.constant 0 : index
    %get3A_76 = vector.load %arg5[%get3A_74, %get3A_75] : memref<1024x512xf32, #tpu.memory_space<vmem>>, vector<1024x512xf32>
    %dot_general3A = arith.constant dense<0.000000e+00> : vector<1024x512xf32>
    %dot_general3A_77 = tpu.matmul %add3A_68, %get3A_73, %dot_general3A {dimension_numbers = #tpu.dot_dimension_numbers<[1], [0], [0], [1], [0, 0, 1, 1], [], []>, transpose_lhs_hint = false} : vector<1024x64xf32>, vector<64x512xf32>, vector<1024x512xf32> -> vector<1024x512xf32>
    %add3A_78 = arith.addf %get3A_76, %dot_general3A_77 : vector<1024x512xf32>
    %swap3A = arith.constant 0 : index
    %swap3A_79 = arith.constant 0 : index
    %swap3A_80 = vector.load %arg5[%swap3A, %swap3A_79] : memref<1024x512xf32, #tpu.memory_space<vmem>>, vector<1024x512xf32>
    tpu.vector_store %arg5[%swap3A, %swap3A_79], %add3A_78 {strides = array<i32>} : memref<1024x512xf32, #tpu.memory_space<vmem>>, vector<1024x512xf32>,
    return
  }
  func.func @transform_0(%arg0: i32) -> (i32, i32, i32) {
    %c0_i32 = arith.constant 0 : i32
    %c0_i32_0 = arith.constant 0 : i32
    %c0_i32_1 = arith.constant 0 : i32
    return %arg0, %c0_i32, %c0_i32_0 : i32, i32, i32
  }
  func.func @transform_1(%arg0: i32) -> (i32, i32, i32) {
    %c0_i32 = arith.constant 0 : i32
    %c0_i32_0 = arith.constant 0 : i32
    %c0_i32_1 = arith.constant 0 : i32
    return %arg0, %c0_i32, %c0_i32_0 : i32, i32, i32
  }
  func.func @transform_2(%arg0: i32) -> (i32, i32) {
    %c0_i32 = arith.constant 0 : i32
    %c0_i32_0 = arith.constant 0 : i32
    %c0_i32_1 = arith.constant 0 : i32
    return %c0_i32, %c0_i32_0 : i32, i32
  }
  func.func @transform_3(%arg0: i32) -> (i32, i32) {
    %c0_i32 = arith.constant 0 : i32
    %c0_i32_0 = arith.constant 0 : i32
    %c0_i32_1 = arith.constant 0 : i32
    return %c0_i32, %c0_i32_0 : i32, i32
  }
  func.func @transform_4(%arg0: i32) -> (i32, i32) {
    %c0_i32 = arith.constant 0 : i32
    %c0_i32_0 = arith.constant 0 : i32
    %c0_i32_1 = arith.constant 0 : i32
    return %c0_i32, %c0_i32_0 : i32, i32
  }
}

</mosaic_0001>

<sc_bundles>
// kernel: kernel.6.cloned.1.call-start
scs
__scs_entry_jumppad:
0x0: {  	(pc) =	sbr.rel $0x88, $3  }
0x1: {  	(tag) =	ssettag $0x0;
	lr =	simm.s32 $0x1  }
0x2: {  	[smem:$0x3F94] =	sst lr;
	_ =	strace $0xD0000000  }
0x3: {  	_ = 	snop  }
0x4: {  	_ = 	snop  }
0x5: {  	_ = 	snop  }
0x6: {  	_ = 	snop  }
0x7: {  	_ = 	snop  }
__scs_overlays_trampoline_lowered:
0x8: {  	[smem:$0x3FA3] =	sst s0  }
0x9: {  	[smem:$0x3FA4] =	sst s1  }
0xa: {  	[smem:$0x3FA5] =	sst s2  }
0xb: {  	[smem:$0x3FA6] =	sst s3  }
0xc: {  	[smem:$0x3FA7] =	sst s4  }
0xd: {  	[smem:$0x3FA8] =	sst s5  }
0xe: {  	[smem:$0x3FA9] =	sst s6  }
0xf: {  	[smem:$0x3FAA] =	sst s7  }
0x10: {  	[smem:$0x3FAB] =	sst s8  }
0x11: {  	[smem:$0x3FAC] =	sst s9;
	s0 =	simm.s32 @!p0 $0x0  }
0x12: {  	s1 =	sld [smem:$0x3F92];
	s0 =	simm.s32 @p0 $0x1  }
0x13: {  	[smem:$0x3FAD] =	sst s0;
	s0 =	simm.s32 @!p1 $0x0  }
0x14: {  	s2 =	sld [smem:$0x3F91];
	s0 =	simm.s32 @p1 $0x1  }
0x15: {  	[smem:$0x3FAE] =	sst s0;
	s0 =	simm.s32 @!p2 $0x0  }
0x16: {  	s3 =	sld [smem:$0x3FDB];
	s0 =	simm.s32 @p2 $0x1  }
0x17: {  	s4 =	simm.s32 $0x1BF5;
	[smem:$0x3FB0] =	sst s0  }
0x18: {  	s0 =	sld [smem:$0x3F93];
	_ =	swait.ge [sflag:s4], $0x0  }
0x19: {  	s7 =	sld [smem:$0x3F94]  }
0x1a: {  	s8 =	sadd.s32 $0xFFFFE003, lr  }
0x1b: {  	s9 =	sadd.s32 $0xFFFFFEF7, lr;
	s5 =	simm.s32 $0xFFFFFFFF;
	p2 =	slt.u32 s8, $0xFFFFF086  }
0x1c: {  	p1 =	slt.u32 s9, $0xF7A;
	s5 =	simm.s32 @!p2 $0x0  }
0x1d: {  	s5 =	simm.s32 @p1 $0x1;
	p0 =	seq.s32 s7, s2  }
0x1e: {  	s7 =	smul.u32 @!p0 $0xF7A, s2;
	p2 =	seq.s32 @!p0 s5, $0x0  }
0x1f: {  	s9 =	smul.u32 $0xF7A, s1;
	s8 =	simm.s32 @!p0 $0x1BF5;
	p2 =	por !p2, p0  }
0x20: {  	[sflag:s8] =	ssyncset.s32 @!p0 $0xFFFFF086;
	s6 =	sadd.s32 @!p0 s3, s7;
	s7 =	simm.s32 @!p0 $0x108  }
0x21: {  	s3 =	sadd.s32 s3, s9;
	s6 =	sadd.s32 @!p0 $0x88, s6;
	s7 =	simm.s32 @p2 $0x1082  }
0x22: {  	[simem:s7], [sflag:s8] =	dma.local @!p0 [hbm:s6], $0xF7A  }
0x23: {  	s9 =	sor.u32 $0xD0000000, s2;
	s6 =	simm.s32 $0x108;
	_ =	swait.ge @!p0 [sflag:s8], $0x0  }
0x24: {  	s3 =	sadd.s32 $0x88, s3;
	s6 =	simm.s32 @!p1 $0x1082;
	[sflag:s4] =	ssyncset.s32 $0xFFFFF086  }
0x25: {  	[simem:s6], [sflag:s4] =	dma.local [hbm:s3], $0xF7A  }
0x26: {  	[smem:$0x3F94] =	sst s1;
	(tag) =	ssettag s2;
	_ =	strace s9  }
0x27: {  	s1 =	sld [smem:$0x3FA4]  }
0x28: {  	s2 =	sld [smem:$0x3FA5]  }
0x29: {  	s4 =	sld [smem:$0x3FA7]  }
0x2a: {  	p0 =	seq.s32 s5, $0x0;
	s5 =	sld [smem:$0x3FA8]  }
0x2b: {  	s6 =	sld [smem:$0x3FA9]  }
0x2c: {  	s7 =	sld [smem:$0x3FAA]  }
0x2d: {  	s3 =	simm.s32 $0x108;
	s8 =	sld [smem:$0x3FAB]  }
0x2e: {  	s3 =	simm.s32 @!p0 $0x1082;
	s9 =	sld [smem:$0x3FAC]  }
0x2f: {  	lr =	sadd.s32 s0, s3;
	s0 =	sld [smem:$0x3FA3]  }
0x30: {  	s3 =	sld [smem:$0x3FA6]  }
0x31: {  	[smem:$0x3FAF] =	sst s10  }
0x32: {  	s10 =	sld [smem:$0x3FAD];
	_ =	sdelay $0x3  }
0x33: {  	p0 =	seq.s32 s10, $0x1;
	s10 =	sld [smem:$0x3FAF];
	_ =	sdelay $0x3  }
0x34: {  	[smem:$0x3FAF] =	sst s10  }
0x35: {  	s10 =	sld [smem:$0x3FAE];
	_ =	sdelay $0x3  }
0x36: {  	p1 =	seq.s32 s10, $0x1;
	s10 =	sld [smem:$0x3FAF];
	_ =	sdelay $0x3  }
0x37: {  	[smem:$0x3FAF] =	sst s10  }
0x38: {  	s10 =	sld [smem:$0x3FB0]  }
0x39: {  	_ = 	snop;
	(pc) =	sbr.ind lr, $3  }
0x3a: {  	_ = 	snop  }
0x3b: {  	_ = 	snop  }
0x3c: {  	p2 =	seq.s32 s10, $0x1;
	s10 =	sld [smem:$0x3FAF]  }
0x3d: {  	_ =	shalt  }
0x3e: {  	_ =	shalt  }
0x3f: {  	_ =	shalt  }
0x40: {  	_ =	shalt  }
0x41: {  	_ =	shalt  }
0x42: {  	_ =	shalt  }
0x43: {  	_ =	shalt  }
0x44: {  	_ =	shalt  }
0x45: {  	_ =	shalt  }
0x46: {  	_ =	shalt  }
0x47: {  	_ =	shalt  }
0x48: {  	_ =	shalt  }
0x49: {  	_ =	shalt  }
0x4a: {  	_ =	shalt  }
0x4b: {  	_ =	shalt  }
0x4c: {  	_ =	shalt  }
0x4d: {  	_ =	shalt  }
0x4e: {  	_ =	shalt  }
0x4f: {  	_ =	shalt  }
0x50: {  	_ =	shalt  }
0x51: {  	_ =	shalt  }
0x52: {  	_ =	shalt  }
0x53: {  	_ =	shalt  }
0x54: {  	_ =	shalt  }
0x55: {  	_ =	shalt  }
0x56: {  	_ =	shalt  }
0x57: {  	_ =	shalt  }
0x58: {  	_ =	shalt  }
0x59: {  	_ =	shalt  }
0x5a: {  	_ =	shalt  }
0x5b: {  	_ =	shalt  }
0x5c: {  	_ =	shalt  }
0x5d: {  	_ =	shalt  }
0x5e: {  	_ =	shalt  }
0x5f: {  	_ =	shalt  }
0x60: {  	_ =	shalt  }
0x61: {  	_ =	shalt  }
0x62: {  	_ =	shalt  }
0x63: {  	_ =	shalt  }
0x64: {  	_ =	shalt  }
0x65: {  	_ =	shalt  }
0x66: {  	_ =	shalt  }
0x67: {  	_ =	shalt  }
0x68: {  	_ =	shalt  }
0x69: {  	_ =	shalt  }
0x6a: {  	_ =	shalt  }
0x6b: {  	_ =	shalt  }
0x6c: {  	_ =	shalt  }
0x6d: {  	_ =	shalt  }
0x6e: {  	_ =	shalt  }
0x6f: {  	_ =	shalt  }
0x70: {  	_ =	shalt  }
0x71: {  	_ =	shalt  }
0x72: {  	_ =	shalt  }
0x73: {  	_ =	shalt  }
0x74: {  	_ =	shalt  }
0x75: {  	_ =	shalt  }
0x76: {  	_ =	shalt  }
0x77: {  	_ =	shalt  }
0x78: {  	_ =	shalt  }
0x79: {  	_ =	shalt  }
0x7a: {  	_ =	shalt  }
0x7b: {  	_ =	shalt  }
0x7c: {  	_ =	shalt  }
0x7d: {  	_ =	shalt  }
0x7e: {  	_ =	shalt  }
0x7f: {  	_ =	shalt  }
0x80: {  	_ =	shalt  }
0x81: {  	_ =	shalt  }
0x82: {  	_ =	shalt  }
0x83: {  	_ =	shalt  }
0x84: {  	_ =	shalt  }
0x85: {  	_ =	shalt  }
0x86: {  	_ =	shalt  }
0x87: {  	_ =	shalt  }
.Lfunc_end0:
.L_simem_size_0:
called_computation_lowered:
.L_overlay_start_0:
0x88: {  	s2 =	sld [smem:$0x3FD9]  }
0x89: {  	s3 =	sld [smem:$0x3FFE];
	_ =	sdelay $0x1  }
0x8a: {  	s1 =	srdreg.scid  }
0x8b: {  	s0 =	sand.u32 $0x1, s1  }
0x8c: {  	s17 =	sshll.u32 s0, $0xA;
	s2 =	sadd.s32 s3, s2  }
0x8d: {  	s2 =	sadd.s32 s2, s17  }
0x8e: {  	[smem:$0x3FBB] =	sst s2  }
0x8f: {  	_ = 	snop  }
0x90: {  	s2 =	sld [smem:$0x3FD0];
	(tm) =	ssettm $0x1  }
0x91: {  	s18 =	sld [smem:$0x3FFB];
	_ =	sdelay $0x3  }
0x92: {  	_ =	strace s18  }
0x93: {  	s3 =	sld [smem:$0x3FFC];
	_ =	sdelay $0x3  }
0x94: {  	_ =	strace s3  }
0x95: {  	s3 =	sld [smem:$0x3FFD];
	_ =	sdelay $0x3  }
0x96: {  	_ =	strace s3  }
0x97: {  	_ =	strace $0x8FFFFFFF  }
0x98: {  	s19 =	sld [smem:$0x3FDB];
	_ =	sdelay $0x1  }
0x99: {  	s4 =	simm.s32 $_scs_section_size  }
0x9a: {  	s5 =	simm.s32 $_size__tile_overlayer_lowered;
	s6 =	simm.s32 $_tile_overlayer_lowered  }
0x9b: {  	s22 =	simm.s32 $0x1BFF;
	s21 =	sshll.u32 s6, $0x1;
	s3 =	sadd.s32 s4, s19  }
0x9c: {  	s7 =	simm.s32 $0x0;
	s20 =	sshll.u32 s5, $0x1;
	s5 =	sadd.s32 s21, s3  }
0x9d: {  	[timem:s7], [sflag:s22] =	dma.local [hbm:s5], s20  }
0x9e: {  	_ =	swait.ge [sflag:s22], s20  }
0x9f: {  	s4 =	ssub.s32 $0x0, s20;
	[sflag:s22] =	ssyncset.done $0x0  }
0xa0: {  	[sflag:s22] =	ssyncadd.s32 s4;
	_ =	sdelay $0x1  }
0xa1: {  	s23 =	simm.s32 $0x1B8B  }
0xa2: {  	_ =	swait.ge [sflag:s23], $0x1  }
0xa3: {  	[sflag:s23] =	ssyncset.done $0x0  }
0xa4: {  	s25 =	simm.s32 $0x1B8E;
	s24 =	sld [smem:$0x3FFE];
	[sflag:s23] =	ssyncadd.s32 $0xFFFFFFFF  }
0xa5: {  	s26 =	simm.s32 $execute0_lowered;
	[smem:$0x3FD2] =	sst s25  }
0xa6: {  	s5 =	sshll.u32 s26, $0x1;
	_ =	strace $0x80000046;
	[dreg:$0x1] =	wrdreg $0xFFFFFFFF  }
0xa7: {  	s28 =	simm.s32 $_size_execute0_lowered;
	s3 =	sadd.s32 s3, s5;
	[dreg:$0x0] =	wrdreg $0x0  }
0xa8: {  	s5 =	sshll.u32 s28, $0x1;
	[dreg:$0x2] =	wrdreg s3  }
0xa9: {  	[dreg:$0x3] =	wrdreg s5  }
0xaa: {  	[dreg:$0x4] =	wrdreg $0xC0  }
0xab: {  	_ =	task [dreg:s7], $0x5FFFF  }
0xac: {  	[dreg:$0x1] =	wrdreg $0xFFFFFFFF  }
0xad: {  	[dreg:$0x0] =	wrdreg $0x60  }
0xae: {  	[dreg:$0x2] =	wrdreg s24  }
0xaf: {  	[dreg:$0x3] =	wrdreg s2  }
0xb0: {  	[dreg:$0x4] =	wrdreg $0x9  }
0xb1: {  	_ =	task.clear_ibuf [dreg:s7], $0x5FFFF;
	_ =	strace $0x90000046  }
0xb2: {  	s29 =	simm.s32 $0x9;
	_ =	strace $0x80000048  }
0xb3: {  	_ =	swait.ge [sflag:s29], $0x1  }
0xb4: {  	[sflag:s29] =	ssyncadd.s32 $0xFFFFFFFF  }
0xb5: {  	_ =	strace $0x90000048  }
0xb6: {  	_ =	sfence  }
0xb7: {  	s30 =	sld [smem:$0x0];
	_ =	sdelay $0x2  }
0xb8: {  	s31 =	sshll.u32 s1, $0xD;
	s1 =	sshrl.u32 s1, $0x2  }
0xb9: {  	s3 =	sand.u32 $0x4000, s31;
	s1 =	sadd.s32 s1, s30  }
0xba: {  	s0 =	sor.u32 s3, s0;
	s1 =	sshll.u32 s1, $0x11  }
0xbb: {  	s0 =	sor.u32 s1, s0  }
0xbc: {  	s0 =	sadd.s32 $0x8F2B, s0  }
0xbd: {  	[sflag:s0] =	ssyncadd.remote.s32 $0x1  }
0xbe: {  	_ =	sfence.sel $0xFFFF  }
0xbf: {  	[dreg:$0x0] =	wrdreg $0xFFFFFFFF;
	(pc) =	sbr.abs _section_cstart, $3  }
0xc0: {  	[dreg:$0x1] =	wrdreg $0xFFFFFFFF  }
0xc1: {  	_ =	task.clear_ibuf [dreg:s7], $0x2FFFF;
	_ =	strace $0x9FFFFFFF  }
0xc2: {  	(tm) =	ssettm $0x7FFFFFFF  }
0xc3: {  	_ =	shalt  }
tec
execute0_lowered:
.L_overlay_start_1:
0x0: {  	(tag) =	ssettag $0x1  }
0x1: {  	s3 =	rddreg [dreg:$0x0]  }
0x2: {  	s6 =	rddreg [dreg:$0x1]  }
0x3: {  	s0 =	rddreg [dreg:$0x2];
	s1 =	stileid.u32  }
0x4: {  	s2 =	simm.s32 $0x0;
	s5 =	srdreg.scid;
	s4 =	smul.u32 $0x18000, s1  }
0x5: {  	[smem:$0x7FF] =	sst s2;
	s5 =	sand.u32 $0x1, s5;
	s7 =	smul.u32 $0x1800, s1  }
0x6: {  	_ =	strace $0x80000047;
	s8 =	ssub.s32 $0x2, s5;
	s9 =	smul.u32 $0xC00, s5  }
0x7: {  	s5 =	smul.u32 $0xC000, s5;
	s10 =	sadd.s32 s4, s3;
	s31 =	sshrl.u32 s8, $0x1  }
0x8: {  	s3 =	sadd.s32 $0x1800, s3;
	s4 =	ssub.s32 s8, s31;
	s7 =	sadd.s32 s9, s7  }
0x9: {  	s5 =	sadd.s32 s5, s10;
	s8 =	simm.s32 $0x80;
	s9 =	simm.s32 $0x1  }
0xa: {  	s10 =	simm.s32 $0x0;
	s4 =	smax.u32 s4, $0x1;
	s7 =	sshrl.u32 s7, $0x3  }
0xb: {  	s5 =	sadd.s32 $0x21800, s5;
	s6 =	sadd.s32 s7, s6;
	s7 =	simm.s32 $0x2  }
.LBB2_1:
0xc: {  	s11 =	sadd.s32 $0x0, s6  }
0xd: {  	[tilespmem:s2], [sflag:$0x2] =	stream.linear.gather [hbm4b:s11+s2], $0x80, $0x38;
	[tilespmem:$0x4080] =	vst v63  }
0xe: {  	_ =	swait.ge [sflag:s7], $0x80  }
0xf: {  	[sflag:s7] =	ssyncset.done $0x0  }
0x10: {  	[sflag:s7] =	ssyncadd.s32 $0xFFFFFF80  }
0x11: {  	[tilespmem:s8], [sflag:$0x1] =	stream.indirect.gather [hbm4b:s3+s8], $0x80, s2, s8, $0xb8;
	[tilespmem:$0x4080] =	vst v63  }
0x12: {  	_ =	swait.ge [sflag:s9], $0x4000  }
0x13: {  	[sflag:s9] =	ssyncset.done $0x0  }
0x14: {  	[sflag:s9] =	ssyncadd.s32 $0xFFFFC000  }
0x15: {  	[hbm4b:s5+s2] =	stream.linear.scatter [tilespmem:s8], [sflag:$0x2], $0x4000, $0x38;
	[tilespmem:$0x4080] =	vst v63  }
0x16: {  	s12 =	simm.s32 $0x10;
	_ =	swait.ge [sflag:s7], $0x4000  }
0x17: {  	s13 =	simm.s32 $0x20;
	s11 =	sadd.s32 $0x800, s5;
	[sflag:s7] =	ssyncset.done $0x0  }
.LBB2_2:
0x18: {  	s14 =	sadd.s32 s12, s6  }
0x19: {  	[sflag:s7] =	ssyncadd.s32 $0xFFFFC000;
	s12 =	smov.u32 s13;
	s15 =	sadd.s32 $0x10, s13  }
0x1a: {  	[tilespmem:s2], [sflag:$0x2] =	stream.linear.gather [hbm4b:s14+s2], $0x80, $0x38;
	[tilespmem:$0x4080] =	vst v63  }
0x1b: {  	p0 =	sne.s32 s13, $0x170;
	_ =	swait.ge [sflag:s7], $0x80  }
0x1c: {  	[sflag:s7] =	ssyncset.done $0x0  }
0x1d: {  	[sflag:s7] =	ssyncadd.s32 $0xFFFFFF80  }
0x1e: {  	[tilespmem:s8], [sflag:$0x1] =	stream.indirect.gather [hbm4b:s3+s8], $0x80, s2, s8, $0xb8;
	[tilespmem:$0x4080] =	vst v63  }
0x1f: {  	_ =	swait.ge [sflag:s9], $0x4000  }
.Ltmp0:
0x20: {  	[sflag:s9] =	ssyncset.done $0x0;
	(pc) =	sbr.rel @p0 .LBB2_2-.Ltmp0, $4  }
0x21: {  	[sflag:s9] =	ssyncadd.s32 $0xFFFFC000  }
0x22: {  	[hbm4b:s11+s2] =	stream.linear.scatter [tilespmem:s8], [sflag:$0x2], $0x4000, $0x38;
	[tilespmem:$0x4080] =	vst v63  }
0x23: {  	_ =	swait.ge [sflag:s7], $0x4000  }
0x24: {  	s13 =	smov.u32 s15;
	s11 =	sadd.s32 $0x800, s11;
	[sflag:s7] =	ssyncset.done $0x0  }
0x25: {  	s12 =	sadd.s32 s12, s6;
	[sflag:s7] =	ssyncadd.s32 $0xFFFFC000  }
0x26: {  	[tilespmem:s2], [sflag:$0x2] =	stream.linear.gather [hbm4b:s12+s2], $0x80, $0x38;
	[tilespmem:$0x4080] =	vst v63  }
0x27: {  	_ =	swait.ge [sflag:s7], $0x80  }
0x28: {  	[sflag:s7] =	ssyncset.done $0x0  }
0x29: {  	[sflag:s7] =	ssyncadd.s32 $0xFFFFFF80  }
0x2a: {  	[tilespmem:s8], [sflag:$0x1] =	stream.indirect.gather [hbm4b:s3+s8], $0x80, s2, s8, $0xb8;
	[tilespmem:$0x4080] =	vst v63  }
0x2b: {  	s10 =	sadd.s32 $0x1, s10;
	_ =	swait.ge [sflag:s9], $0x4000  }
0x2c: {  	p0 =	sne.s32 s10, s4;
	[sflag:s9] =	ssyncset.done $0x0  }
.Ltmp1:
0x2d: {  	[sflag:s9] =	ssyncadd.s32 $0xFFFFC000;
	(pc) =	sbr.rel @p0 .LBB2_1-.Ltmp1, $4  }
0x2e: {  	[hbm4b:s11+s2] =	stream.linear.scatter [tilespmem:s8], [sflag:$0x2], $0x4000, $0x38;
	[tilespmem:$0x4080] =	vst v63  }
0x2f: {  	_ =	swait.ge [sflag:s7], $0x4000  }
0x30: {  	[sflag:s7] =	ssyncset.done $0x0  }
0x31: {  	[sflag:s7] =	ssyncadd.s32 $0xFFFFC000  }
0x32: {  	_ =	sfence.sel $0x180000  }
0x33: {  	[bflag:$0x0] =	sbarrier.arrive $0xFFFF  }
0x34: {  	p0 =	sne.s32 s1, $0x0;
	_ =	strace $0x90000047  }
0x35: {  	s0 =	sadd.s32 @!p0 $0x100000, s0;
	[bflag:$0x2] =	sbarrier.arrive $0xFFFF  }
0x36: {  	[sflag:s0] =	ssyncadd.tile.s32 @!p0 $0x1;
	_ =	shalt  }
.Lfunc_end2:
_tile_overlayer_lowered:
.L_overlay_start_2:
0x37: {  	(tag) =	ssettag $0x2  }
0x38: {  	s0 =	rddreg [dreg:$0x0];
	s2 =	stileid.u32  }
0x39: {  	s1 =	rddreg [dreg:$0x1];
	p0 =	sne.s32 s2, $0x0  }
0x3a: {  	s3 =	rddreg [dreg:$0x2];
	[bflag:$0x3] =	sbarrier.arrive $0xFFFF;
	s2 =	simm.s32 @!p0 $0x1C02  }
0x3b: {  	[timem:s3], [sflag:s2] =	dma.local @!p0 [hbm:s0], s1  }
0x3c: {  	s0 =	simm.s32 @!p0 $0x2  }
0x3d: {  	_ =	swait.ge @!p0 [sflag:s0], s1  }
0x3e: {  	s1 =	ssub.s32 @!p0 $0x0, s1;
	[sflag:s0] =	ssyncset.done @!p0 $0x0  }
0x3f: {  	[sflag:s0] =	ssyncadd.s32 @!p0 s1  }
0x40: {  	[bflag:$0x3] =	sbarrier.arrive $0xFFFF  }
0x41: {  	_ =	shalt  }

</sc_bundles>
